<compile_context>
chip_gen: v7x
topology: tpu7x:2x2x1
jax: 0.10.2.dev20260603
libtpu: 0.0.44.dev20260713+nightly
codegen_flags: <defaults>
</compile_context>

<pallas_src>
import functools

import jax
import jax.numpy as jnp
from jax import lax
from jax.experimental import pallas as pl
from jax.experimental.pallas import tpu as pltpu
from jax.experimental.pallas import tpu_sc as plsc

NC = 2
NS = 16
NW = NC * NS
LANES = 16

CHUNK = 1024
IROWS = CHUNK // 128
TCR = 512


def _round_up(a, b):
    return (a + b - 1) // b * b



def _splat(w, j):
    idx = jnp.full((LANES, 1), j, jnp.int32)
    dnums = lax.GatherDimensionNumbers(
        offset_dims=(), collapsed_slice_dims=(0,), start_index_map=(0,))
    return lax.gather(w, idx, dnums, (1,),
                      mode=lax.GatherScatterMode.PROMISE_IN_BOUNDS)


@functools.partial(jax.jit, static_argnames=("n_pad", "t_per_w"))
def _deg_call(ew_r, dst_r, zrows, *, n_pad, t_per_w):
    rows_pt = n_pad // NS
    nchunks = t_per_w // CHUNK
    mesh = plsc.VectorSubcoreMesh(core_axis_name="c", subcore_axis_name="s")

    def body(ew_hbm, dst_hbm, z_hbm, out_hbm, ew_v, di_v, sbuf, acc,
             ss0, ss1):
        cid = lax.axis_index("c")
        sid = lax.axis_index("s")
        wid = sid * NC + cid
        ssem = (ss0, ss1)
        pltpu.sync_copy(z_hbm, acc.at[pl.ds(sid * rows_pt, rows_pt), :])
        pltpu.sync_copy(ew_hbm.at[wid], ew_v)
        pltpu.sync_copy(dst_hbm.at[wid], di_v)
        plsc.subcore_barrier()
        lane0 = lax.iota(jnp.int32, LANES) == 0

        def fire_scatter(c, b):
            for j in range(IROWS):
                pltpu.async_copy(
                    sbuf.at[b, pl.ds(j * 128, 128), :],
                    acc.at[di_v.at[c * IROWS + j]], ssem[b], add=True)

        def wait_scatter(b):
            for j in range(IROWS):
                pltpu.make_async_copy(
                    sbuf.at[b, pl.ds(j * 128, 128), :],
                    acc.at[di_v.at[j]], ssem[b]).wait()

        def build_chunk(c, b):
            @plsc.parallel_loop(0, CHUNK // LANES, unroll=2)
            def build(i):
                w = ew_v[pl.ds(c * CHUNK + i * LANES, LANES)]
                for j in range(LANES):
                    e = i * LANES + j
                    s = _splat(w, j)
                    sbuf[b, e, :] = jnp.where(lane0, s, 0.0)

        nsteps = nchunks // 2

        def step(t, _):
            c0 = 2 * t
            for b in (0, 1):
                @pl.when(t >= 1)
                def _drain():
                    wait_scatter(b)

                build_chunk(c0 + b, b)
                fire_scatter(c0 + b, b)
            return 0

        lax.fori_loop(0, nsteps, step, 0)
        wait_scatter(0)
        wait_scatter(1)
        plsc.subcore_barrier()
        pltpu.sync_copy(acc.at[pl.ds(sid * rows_pt, rows_pt), :],
                        out_hbm.at[cid, pl.ds(sid * rows_pt, rows_pt), :])

    return pl.kernel(
        body,
        out_type=jax.ShapeDtypeStruct((NC, n_pad, LANES), jnp.float32),
        mesh=mesh,
        scratch_types=[
            pltpu.VMEM((t_per_w,), jnp.float32),
            pltpu.VMEM((t_per_w // 128, 128), jnp.int32),
            pltpu.VMEM((2, CHUNK, LANES), jnp.float32),
            pltpu.VMEM_SHARED((n_pad, LANES), jnp.float32),
            pltpu.SemaphoreType.DMA,
            pltpu.SemaphoreType.DMA,
        ],
        compiler_params=pltpu.CompilerParams(use_tc_tiling_on_sc=False),
    )(ew_r, dst_r, zrows)


@functools.partial(jax.jit, static_argnames=("n_pad", "t_per_w", "f"))
def _agg_call(ew_r, src_r, dst_r, g, zrows, *, n_pad, t_per_w, f):
    rows_pt = n_pad // NS
    chunk = {16: 1024, 32: 512, 64: 128}[f]
    irows = chunk // 128
    nchunks = t_per_w // chunk
    fv = f // LANES
    mesh = plsc.VectorSubcoreMesh(core_axis_name="c", subcore_axis_name="s")

    def body(ew_hbm, src_hbm, dst_hbm, g_hbm, z_hbm, out_hbm,
             ew_v, si_v, di_v, gbuf, sbuf, acc, gs0, gs1, ss0, ss1):
        cid = lax.axis_index("c")
        sid = lax.axis_index("s")
        wid = sid * NC + cid
        gsem = (gs0, gs1)
        ssem = (ss0, ss1)

        pltpu.sync_copy(z_hbm, acc.at[pl.ds(sid * rows_pt, rows_pt), :])
        pltpu.sync_copy(ew_hbm.at[wid], ew_v)
        pltpu.sync_copy(src_hbm.at[wid], si_v)
        pltpu.sync_copy(dst_hbm.at[wid], di_v)
        plsc.subcore_barrier()

        def fire_gather(c, b):
            for j in range(irows):
                pltpu.async_copy(
                    g_hbm.at[si_v.at[c * irows + j]],
                    gbuf.at[b, pl.ds(j * 128, 128), :], gsem[b])

        def wait_gather(b):
            for j in range(irows):
                pltpu.make_async_copy(
                    g_hbm.at[si_v.at[j]],
                    gbuf.at[b, pl.ds(j * 128, 128), :], gsem[b]).wait()

        def fire_scatter(c, b):
            for j in range(irows):
                pltpu.async_copy(
                    sbuf.at[b, pl.ds(j * 128, 128), :],
                    acc.at[di_v.at[c * irows + j]], ssem[b], add=True)

        def wait_scatter(b):
            for j in range(irows):
                pltpu.make_async_copy(
                    sbuf.at[b, pl.ds(j * 128, 128), :],
                    acc.at[di_v.at[j]], ssem[b]).wait()

        def scale_chunk(c, b):
            @plsc.parallel_loop(0, chunk // LANES, unroll=2)
            def scale(i):
                w = ew_v[pl.ds(c * chunk + i * LANES, LANES)]
                for j in range(LANES):
                    e = i * LANES + j
                    s = _splat(w, j)
                    for v in range(fv):
                        sl = pl.ds(v * LANES, LANES)
                        sbuf[b, e, sl] = gbuf[b, e, sl] * s

        nsteps = nchunks // 2
        fire_gather(0, 0)
        fire_gather(1, 1)

        def step(t, _):
            c0 = 2 * t
            for b in (0, 1):
                c = c0 + b
                wait_gather(b)

                @pl.when(t >= 1)
                def _drain():
                    wait_scatter(b)

                scale_chunk(c, b)
                fire_scatter(c, b)

                @pl.when(t + 1 < nsteps)
                def _refill():
                    fire_gather(c + 2, b)

            return 0

        lax.fori_loop(0, nsteps, step, 0)
        wait_scatter(0)
        wait_scatter(1)
        plsc.subcore_barrier()
        pltpu.sync_copy(acc.at[pl.ds(sid * rows_pt, rows_pt), :],
                        out_hbm.at[cid, pl.ds(sid * rows_pt, rows_pt), :])

    return pl.kernel(
        body,
        out_type=jax.ShapeDtypeStruct((NC, n_pad, f), jnp.float32),
        mesh=mesh,
        scratch_types=[
            pltpu.VMEM((t_per_w,), jnp.float32),
            pltpu.VMEM((t_per_w // 128, 128), jnp.int32),
            pltpu.VMEM((t_per_w // 128, 128), jnp.int32),
            pltpu.VMEM((2, chunk, f), jnp.float32),
            pltpu.VMEM((2, chunk, f), jnp.float32),
            pltpu.VMEM_SHARED((n_pad, f), jnp.float32),
            pltpu.SemaphoreType.DMA,
            pltpu.SemaphoreType.DMA,
            pltpu.SemaphoreType.DMA,
            pltpu.SemaphoreType.DMA,
        ],
        compiler_params=pltpu.CompilerParams(use_tc_tiling_on_sc=False),
    )(ew_r, src_r, dst_r, g, zrows)



def _dinv_block(degp_ref):
    d = degp_ref[0, :, 0:1] + degp_ref[1, :, 0:1] + 1.0
    return jnp.where(d > 0, lax.rsqrt(d), 0.0)


def _tc_first_body(degp_ref, x_ref, w_ref, o_ref):
    dinv = _dinv_block(degp_ref)
    h = jnp.dot(x_ref[...], w_ref[...], preferred_element_type=jnp.float32)
    o_ref[...] = h * dinv


def _tc_mid_body(degp_ref, sp_ref, g_ref, b_ref, w_ref, o_ref):
    dinv = _dinv_block(degp_ref)
    pre = dinv * (sp_ref[0] + sp_ref[1] + g_ref[...]) + b_ref[...]
    h = jnp.maximum(pre, 0.0)
    o_ref[...] = dinv * jnp.dot(h, w_ref[...],
                                preferred_element_type=jnp.float32)


def _tc_last_body(degp_ref, sp_ref, g_ref, b_ref, o_ref):
    dinv = _dinv_block(degp_ref)
    z = jnp.maximum(dinv * (sp_ref[0] + sp_ref[1] + g_ref[...]) + b_ref[...],
                    0.0)
    colmask = lax.broadcasted_iota(jnp.int32, z.shape, 1) < 6
    zm = jnp.where(colmask, z, -jnp.inf)
    m = jnp.max(zm, axis=1, keepdims=True)
    ez = jnp.where(colmask, jnp.exp(z - m), 0.0)
    lse = m + jnp.log(jnp.sum(ez, axis=1, keepdims=True))
    o_ref[...] = z - lse


def _deg_spec(_):
    return pl.BlockSpec((2, TCR, LANES), lambda i: (0, i, 0))


def _tc_first(degp, x_p, w, *, n_pad):
    f_out = w.shape[1]
    return pl.pallas_call(
        _tc_first_body,
        out_shape=jax.ShapeDtypeStruct((n_pad, f_out), jnp.float32),
    )(degp, x_p, w)


def _tc_mid(degp, sp, g, b, w, *, n_pad):
    f_in = g.shape[1]
    f_out = w.shape[1]
    return pl.pallas_call(
        _tc_mid_body,
        out_shape=jax.ShapeDtypeStruct((n_pad, f_out), jnp.float32),
    )(degp, sp, g, b, w)


def _tc_last(degp, sp, g, b, *, n_pad):
    f_in = g.shape[1]
    return pl.pallas_call(
        _tc_last_body,
        out_shape=jax.ShapeDtypeStruct((n_pad, f_in), jnp.float32),
    )(degp, sp, g, b)



def kernel(x, edge_index, edge_weight, W1, b1, W2, b2, W3, b3, W4, b4):
    n, _ = x.shape
    e = edge_weight.shape[0]
    n_pad = _round_up(n, 2048)
    e_pad = _round_up(e, NW * CHUNK)
    t_per_w = e_pad // NW

    src = edge_index[0].astype(jnp.int32)
    dst = edge_index[1].astype(jnp.int32)
    ew = edge_weight.astype(jnp.float32)
    pad = e_pad - e
    if pad:
        padidx = (jnp.arange(pad, dtype=jnp.int32) * 37) % n
        src = jnp.concatenate([src, padidx])
        dst = jnp.concatenate([dst, padidx])
        ew = jnp.concatenate([ew, jnp.zeros((pad,), jnp.float32)])
    src_r = src.reshape(NW, t_per_w // 128, 128)
    dst_r = dst.reshape(NW, t_per_w // 128, 128)
    ew_r = ew.reshape(NW, t_per_w)

    x_p = jnp.pad(x, ((0, n_pad - n), (0, 0)))
    rows_pt = n_pad // NS
    z16 = jnp.zeros((rows_pt, 16), jnp.float32)
    z32 = jnp.zeros((rows_pt, 32), jnp.float32)
    z64 = jnp.zeros((rows_pt, 64), jnp.float32)

    degp = _deg_call(ew_r, dst_r, z16, n_pad=n_pad, t_per_w=t_per_w)

    g1 = _tc_first(degp, x_p, W1, n_pad=n_pad)
    s1 = _agg_call(ew_r, src_r, dst_r, g1, z16,
                   n_pad=n_pad, t_per_w=t_per_w, f=16)

    g2 = _tc_mid(degp, s1, g1, b1.reshape(1, -1), W2, n_pad=n_pad)
    s2 = _agg_call(ew_r, src_r, dst_r, g2, z32,
                   n_pad=n_pad, t_per_w=t_per_w, f=32)

    g3 = _tc_mid(degp, s2, g2, b2.reshape(1, -1), W3, n_pad=n_pad)
    s3 = _agg_call(ew_r, src_r, dst_r, g3, z64,
                   n_pad=n_pad, t_per_w=t_per_w, f=64)

    W4p = jnp.pad(W4, ((0, 0), (0, 16 - W4.shape[1])))
    g4 = _tc_mid(degp, s3, g3, b3.reshape(1, -1), W4p, n_pad=n_pad)
    s4 = _agg_call(ew_r, src_r, dst_r, g4, z16,
                   n_pad=n_pad, t_per_w=t_per_w, f=16)

    b4p = jnp.pad(b4, (0, 16 - b4.shape[0])).reshape(1, -1)
    outp = _tc_last(degp, s4, g4, b4p, n_pad=n_pad)
    return outp[:n, :W4.shape[1]]

# --- scband reference (transcript-rebuilt; emitter-appended) ---
"""Pipeline reference for scband-net-88562225643951 (READ-ONLY COPY).

The authoritative reference and input builder live on the scoring server;
editing this copy changes nothing except your own understanding.
"""

import jax, jax.numpy as jnp
import numpy as np

N = 10000
E = 320000
D = 128


def _glorot(key, shape):
    fan_in, fan_out = shape
    lim = (6.0 / (fan_in + fan_out)) ** 0.5
    return jax.random.uniform(key, shape, jnp.float32, -lim, lim)


def setup_inputs(seed: int = 0) -> dict:
    key = jax.random.key(seed)
    ks = jax.random.split(key, 12)
    x = jax.random.normal(ks[0], (N, D), dtype=jnp.float32)
    edge_index = jax.random.randint(ks[1], (2, E), 0, N)
    edge_weight = jax.random.uniform(ks[2], (E,), dtype=jnp.float32)
    W1 = _glorot(ks[3], (D, 16));  b1 = jnp.zeros((16,), jnp.float32)
    W2 = _glorot(ks[4], (16, 32)); b2 = jnp.zeros((32,), jnp.float32)
    W3 = _glorot(ks[5], (32, 64)); b3 = jnp.zeros((64,), jnp.float32)
    W4 = _glorot(ks[6], (64, 6));  b4 = jnp.zeros((6,), jnp.float32)
    return {"x": x, "edge_index": edge_index, "edge_weight": edge_weight,
            "W1": W1, "b1": b1, "W2": W2, "b2": b2,
            "W3": W3, "b3": b3, "W4": W4, "b4": b4}


def gcn_conv(x, edge_index, edge_weight, W, b):
    # GCNConv with normalize=True: add self-loops (weight 1), symmetric norm,
    # message = norm * (x @ W)[src], aggregated via scatter-add at dst, then bias.
    n = x.shape[0]
    src = edge_index[0]
    dst = edge_index[1]
    loop = jnp.arange(n, dtype=src.dtype)
    src = jnp.concatenate([src, loop])
    dst = jnp.concatenate([dst, loop])
    ew = jnp.concatenate([edge_weight, jnp.ones((n,), edge_weight.dtype)])
    deg = jnp.zeros((n,), ew.dtype).at[dst].add(ew)
    dinv = jnp.where(deg > 0, jax.lax.rsqrt(jnp.where(deg > 0, deg, 1.0)), 0.0)
    norm = dinv[src] * ew * dinv[dst]
    h = x @ W
    msg = h[src] * norm[:, None]
    out = jnp.zeros((n, W.shape[1]), h.dtype).at[dst].add(msg)
    return out + b


def reference(x, edge_index, edge_weight, W1, b1, W2, b2, W3, b3, W4, b4):
    h = jax.nn.relu(gcn_conv(x, edge_index, edge_weight, W1, b1))
    h = jax.nn.relu(gcn_conv(h, edge_index, edge_weight, W2, b2))
    h = jax.nn.relu(gcn_conv(h, edge_index, edge_weight, W3, b3))
    h = jax.nn.relu(gcn_conv(h, edge_index, edge_weight, W4, b4))
    return jax.nn.log_softmax(h, axis=1)

if __name__ == "__main__":
    import jax
    _d = setup_inputs()
    print(jax.jit(kernel)(*tuple(_d.values())))

</pallas_src>

<mosaic_0001>
#map = affine_map<(d0, d1) -> (0, 0)>
#map1 = affine_map<(d0, d1) -> (0, 0, 0)>
module attributes {stable_mosaic.version = 14 : i64} {
  func.func @body(%arg0: i32, %arg1: i32, %arg2: memref<32x10240xf32, #tpu.memory_space<hbm>>, %arg3: memref<32x80x128xi32, #tpu.memory_space<hbm>>, %arg4: memref<640x16xf32, #tpu.memory_space<hbm>>, %arg5: memref<2x10240x16xf32, #tpu.memory_space<hbm>>, %arg6: memref<10240xf32, #tpu.memory_space<vmem>>, %arg7: memref<80x128xi32, #tpu.memory_space<vmem>>, %arg8: memref<2x1024x16xf32, #tpu.memory_space<vmem>>, %arg9: memref<10240x16xf32, #tpu.memory_space<vmem_shared>>, %arg10: memref<!tpu.dma_semaphore, #tpu.memory_space<semaphore_mem>>, %arg11: memref<!tpu.dma_semaphore, #tpu.memory_space<semaphore_mem>>) attributes {dimension_semantics = [#tpu.dimension_semantics<core_parallel>, #tpu.dimension_semantics<subcore_parallel>], iteration_bounds = array<i64: 2, 16>, scalar_prefetch = 0 : i64, scratch_operands = 6 : i64, tpu.core_type = #tpu.core_type<sc_vector_subcore>, window_params = [{transform_indices = #map}, {transform_indices = #map1}, {transform_indices = #map}, {transform_indices = #map1}]} {
    %mul3A = arith.constant 2 : i32
    %mul3A_0 = arith.muli %arg1, %mul3A : i32
    %add3A = arith.addi %mul3A_0, %arg0 : i32
    %mul3A_1 = arith.constant 640 : i32
    %mul3A_2 = arith.muli %arg1, %mul3A_1 : i32
    "tpu.region"() ({
      %run_scoped3A = tpu.sem_alloc : memref<!tpu.dma_semaphore, #tpu.memory_space<semaphore_mem>>
      %dma_start3A = arith.constant 0 : i32
      %dma_start3A_207 = tpu.memref_slice %arg9[%mul3A_2, %dma_start3A] : memref<10240x16xf32, #tpu.memory_space<vmem_shared>> -> memref<640x16xf32, #tpu.memory_space<vmem_shared>>
      tpu.enqueue_dma source(%arg4 : memref<640x16xf32, #tpu.memory_space<hbm>>) target(%dma_start3A_207 : memref<640x16xf32, #tpu.memory_space<vmem_shared>>) target_semaphore(%run_scoped3A : memref<!tpu.dma_semaphore, #tpu.memory_space<semaphore_mem>>)
      %dma_wait3A_208 = arith.constant 0 : i32
      %dma_wait3A_209 = tpu.memref_slice %arg9[%mul3A_2, %dma_wait3A_208] : memref<10240x16xf32, #tpu.memory_space<vmem_shared>> -> memref<640x16xf32, #tpu.memory_space<vmem_shared>>
      tpu.wait_dma2 semaphore(%run_scoped3A : memref<!tpu.dma_semaphore, #tpu.memory_space<semaphore_mem>>) src(%arg4 : memref<640x16xf32, #tpu.memory_space<hbm>>) dst(%dma_wait3A_209 : memref<640x16xf32, #tpu.memory_space<vmem_shared>>)
      tpu.yield
    }) : () -> ()
    "tpu.region"() ({
      %run_scoped3A = tpu.sem_alloc : memref<!tpu.dma_semaphore, #tpu.memory_space<semaphore_mem>>
      %dma_start3A = arith.constant 0 : i32
      %dma_start3A_207 = tpu.memref_slice %arg2[%add3A, %dma_start3A] : memref<32x10240xf32, #tpu.memory_space<hbm>> -> memref<1x10240xf32, #tpu.memory_space<hbm>>
      %dma_start3A_208 = tpu.memref_squeeze %dma_start3A_207 : memref<1x10240xf32, #tpu.memory_space<hbm>> -> memref<10240xf32, #tpu.memory_space<hbm>>
      %dma_start3A_209 = arith.constant 0 : i32
      %dma_start3A_210 = tpu.memref_slice %arg2[%add3A, %dma_start3A_209] : memref<32x10240xf32, #tpu.memory_space<hbm>> -> memref<1x10240xf32, #tpu.memory_space<hbm>>
      %dma_start3A_211 = tpu.memref_squeeze %dma_start3A_210 : memref<1x10240xf32, #tpu.memory_space<hbm>> -> memref<10240xf32, #tpu.memory_space<hbm>>
      tpu.enqueue_dma source(%dma_start3A_211 : memref<10240xf32, #tpu.memory_space<hbm>>) target(%arg6 : memref<10240xf32, #tpu.memory_space<vmem>>) target_semaphore(%run_scoped3A : memref<!tpu.dma_semaphore, #tpu.memory_space<semaphore_mem>>)
      %dma_wait3A_212 = arith.constant 0 : i32
      %dma_wait3A_213 = tpu.memref_slice %arg2[%add3A, %dma_wait3A_212] : memref<32x10240xf32, #tpu.memory_space<hbm>> -> memref<1x10240xf32, #tpu.memory_space<hbm>>
      %dma_wait3A_214 = tpu.memref_squeeze %dma_wait3A_213 : memref<1x10240xf32, #tpu.memory_space<hbm>> -> memref<10240xf32, #tpu.memory_space<hbm>>
      %dma_wait3A_215 = arith.constant 0 : i32
      %dma_wait3A_216 = tpu.memref_slice %arg2[%add3A, %dma_wait3A_215] : memref<32x10240xf32, #tpu.memory_space<hbm>> -> memref<1x10240xf32, #tpu.memory_space<hbm>>
      %dma_wait3A_217 = tpu.memref_squeeze %dma_wait3A_216 : memref<1x10240xf32, #tpu.memory_space<hbm>> -> memref<10240xf32, #tpu.memory_space<hbm>>
      tpu.wait_dma2 semaphore(%run_scoped3A : memref<!tpu.dma_semaphore, #tpu.memory_space<semaphore_mem>>) src(%dma_wait3A_217 : memref<10240xf32, #tpu.memory_space<hbm>>) dst(%arg6 : memref<10240xf32, #tpu.memory_space<vmem>>)
      tpu.yield
    }) : () -> ()
    "tpu.region"() ({
      %run_scoped3A = tpu.sem_alloc : memref<!tpu.dma_semaphore, #tpu.memory_space<semaphore_mem>>
      %dma_start3A = arith.constant 0 : i32
      %dma_start3A_207 = arith.constant 0 : i32
      %dma_start3A_208 = tpu.memref_slice %arg3[%add3A, %dma_start3A, %dma_start3A_207] : memref<32x80x128xi32, #tpu.memory_space<hbm>> -> memref<1x80x128xi32, #tpu.memory_space<hbm>>
      %dma_start3A_209 = tpu.memref_squeeze %dma_start3A_208 : memref<1x80x128xi32, #tpu.memory_space<hbm>> -> memref<80x128xi32, #tpu.memory_space<hbm>>
      %dma_start3A_210 = arith.constant 0 : i32
      %dma_start3A_211 = arith.constant 0 : i32
      %dma_start3A_212 = tpu.memref_slice %arg3[%add3A, %dma_start3A_210, %dma_start3A_211] : memref<32x80x128xi32, #tpu.memory_space<hbm>> -> memref<1x80x128xi32, #tpu.memory_space<hbm>>
      %dma_start3A_213 = tpu.memref_squeeze %dma_start3A_212 : memref<1x80x128xi32, #tpu.memory_space<hbm>> -> memref<80x128xi32, #tpu.memory_space<hbm>>
      tpu.enqueue_dma source(%dma_start3A_213 : memref<80x128xi32, #tpu.memory_space<hbm>>) target(%arg7 : memref<80x128xi32, #tpu.memory_space<vmem>>) target_semaphore(%run_scoped3A : memref<!tpu.dma_semaphore, #tpu.memory_space<semaphore_mem>>)
      %dma_wait3A_214 = arith.constant 0 : i32
      %dma_wait3A_215 = arith.constant 0 : i32
      %dma_wait3A_216 = tpu.memref_slice %arg3[%add3A, %dma_wait3A_214, %dma_wait3A_215] : memref<32x80x128xi32, #tpu.memory_space<hbm>> -> memref<1x80x128xi32, #tpu.memory_space<hbm>>
      %dma_wait3A_217 = tpu.memref_squeeze %dma_wait3A_216 : memref<1x80x128xi32, #tpu.memory_space<hbm>> -> memref<80x128xi32, #tpu.memory_space<hbm>>
      %dma_wait3A_218 = arith.constant 0 : i32
      %dma_wait3A_219 = arith.constant 0 : i32
      %dma_wait3A_220 = tpu.memref_slice %arg3[%add3A, %dma_wait3A_218, %dma_wait3A_219] : memref<32x80x128xi32, #tpu.memory_space<hbm>> -> memref<1x80x128xi32, #tpu.memory_space<hbm>>
      %dma_wait3A_221 = tpu.memref_squeeze %dma_wait3A_220 : memref<1x80x128xi32, #tpu.memory_space<hbm>> -> memref<80x128xi32, #tpu.memory_space<hbm>>
      tpu.wait_dma2 semaphore(%run_scoped3A : memref<!tpu.dma_semaphore, #tpu.memory_space<semaphore_mem>>) src(%dma_wait3A_221 : memref<80x128xi32, #tpu.memory_space<hbm>>) dst(%arg7 : memref<80x128xi32, #tpu.memory_space<vmem>>)
      tpu.yield
    }) : () -> ()
    %barrier3A = arith.constant 0 : index
    tpu.barrier barrier_id(%barrier3A)
    %iota3A = tpu.iota {dimensions = array<i32: 0>} : vector<16xi32>
    %eq3A = arith.constant 0 : i32
    %eq3A_3 = vector.broadcast %eq3A : i32 to vector<16xi32>
    %eq3A_4 = arith.cmpi eq, %iota3A, %eq3A_3 : vector<16xi32>
    %scan3A = arith.constant 0 : i32
    %scan3A_5 = arith.constant 0 : i32
    %scan3A_6 = arith.constant 5 : i32
    %scan3A_7 = arith.addi %scan3A_5, %scan3A_6 : i32
    %scan3A_8 = arith.constant 1 : i32
    %scan3A_9 = scf.for %scan3A_207 = %scan3A_5 to %scan3A_7 step %scan3A_8 iter_args(%scan3A_208 = %scan3A) -> (i32)  : i32 {
      %mul3A_209 = arith.constant 2 : i32
      %mul3A_210 = arith.muli %mul3A_209, %scan3A_207 : i32
      %ge3A = arith.constant 1 : i32
      %ge3A_211 = arith.cmpi sge, %scan3A_207, %ge3A : i32
      %convert_element_type3A = arith.extui %ge3A_211 : i1 to i32
      %cond3A = arith.constant 0 : i32
      %cond3A_212 = arith.cmpi ne, %convert_element_type3A, %cond3A : i32
      scf.if %cond3A_212 {
        %dma_wait3A_471 = arith.constant 0 : i32
        %dma_wait3A_472 = arith.constant 0 : i32
        %dma_wait3A_473 = arith.constant 0 : i32
        %dma_wait3A_474 = arith.constant 0 : i32
        %dma_wait3A_475 = tpu.memref_slice %arg8[%dma_wait3A_471, %dma_wait3A_473, %dma_wait3A_474] : memref<2x1024x16xf32, #tpu.memory_space<vmem>> -> memref<1x128x16xf32, #tpu.memory_space<vmem>>
        %dma_wait3A_476 = tpu.memref_squeeze %dma_wait3A_475 : memref<1x128x16xf32, #tpu.memory_space<vmem>> -> memref<128x16xf32, #tpu.memory_space<vmem>>
        %dma_wait3A_477 = arith.constant 0 : i32
        %dma_wait3A_478 = tpu.memref_slice %arg7[%dma_wait3A_472, %dma_wait3A_477] : memref<80x128xi32, #tpu.memory_space<vmem>> -> memref<1x128xi32, #tpu.memory_space<vmem>>
        %dma_wait3A_479 = tpu.memref_squeeze %dma_wait3A_478 : memref<1x128xi32, #tpu.memory_space<vmem>> -> memref<128xi32, #tpu.memory_space<vmem>>
        %dma_wait3A_480 = arith.constant 0 : i32
        %dma_wait3A_481 = arith.constant 0 : i32
        %dma_wait3A_482 = tpu.memref_slice %arg9[%dma_wait3A_480, %dma_wait3A_481] : memref<10240x16xf32, #tpu.memory_space<vmem_shared>> -> memref<10240x16xf32, #tpu.memory_space<vmem_shared>>
        tpu.wait_indirect_dma semaphore(%arg10 : memref<!tpu.dma_semaphore, #tpu.memory_space<semaphore_mem>>) src(%dma_wait3A_476 : memref<128x16xf32, #tpu.memory_space<vmem>>) dst(%dma_wait3A_482 : memref<10240x16xf32, #tpu.memory_space<vmem_shared>>)
        %dma_wait3A_483 = arith.constant 0 : i32
        %dma_wait3A_484 = arith.constant 1 : i32
        %dma_wait3A_485 = arith.constant 128 : i32
        %dma_wait3A_486 = arith.constant 0 : i32
        %dma_wait3A_487 = tpu.memref_slice %arg8[%dma_wait3A_483, %dma_wait3A_485, %dma_wait3A_486] : memref<2x1024x16xf32, #tpu.memory_space<vmem>> -> memref<1x128x16xf32, #tpu.memory_space<vmem>>
        %dma_wait3A_488 = tpu.memref_squeeze %dma_wait3A_487 : memref<1x128x16xf32, #tpu.memory_space<vmem>> -> memref<128x16xf32, #tpu.memory_space<vmem>>
        %dma_wait3A_489 = arith.constant 0 : i32
        %dma_wait3A_490 = tpu.memref_slice %arg7[%dma_wait3A_484, %dma_wait3A_489] : memref<80x128xi32, #tpu.memory_space<vmem>> -> memref<1x128xi32, #tpu.memory_space<vmem>>
        %dma_wait3A_491 = tpu.memref_squeeze %dma_wait3A_490 : memref<1x128xi32, #tpu.memory_space<vmem>> -> memref<128xi32, #tpu.memory_space<vmem>>
        %dma_wait3A_492 = arith.constant 0 : i32
        %dma_wait3A_493 = arith.constant 0 : i32
        %dma_wait3A_494 = tpu.memref_slice %arg9[%dma_wait3A_492, %dma_wait3A_493] : memref<10240x16xf32, #tpu.memory_space<vmem_shared>> -> memref<10240x16xf32, #tpu.memory_space<vmem_shared>>
        tpu.wait_indirect_dma semaphore(%arg10 : memref<!tpu.dma_semaphore, #tpu.memory_space<semaphore_mem>>) src(%dma_wait3A_488 : memref<128x16xf32, #tpu.memory_space<vmem>>) dst(%dma_wait3A_494 : memref<10240x16xf32, #tpu.memory_space<vmem_shared>>)
        %dma_wait3A_495 = arith.constant 0 : i32
        %dma_wait3A_496 = arith.constant 2 : i32
        %dma_wait3A_497 = arith.constant 256 : i32
        %dma_wait3A_498 = arith.constant 0 : i32
        %dma_wait3A_499 = tpu.memref_slice %arg8[%dma_wait3A_495, %dma_wait3A_497, %dma_wait3A_498] : memref<2x1024x16xf32, #tpu.memory_space<vmem>> -> memref<1x128x16xf32, #tpu.memory_space<vmem>>
        %dma_wait3A_500 = tpu.memref_squeeze %dma_wait3A_499 : memref<1x128x16xf32, #tpu.memory_space<vmem>> -> memref<128x16xf32, #tpu.memory_space<vmem>>
        %dma_wait3A_501 = arith.constant 0 : i32
        %dma_wait3A_502 = tpu.memref_slice %arg7[%dma_wait3A_496, %dma_wait3A_501] : memref<80x128xi32, #tpu.memory_space<vmem>> -> memref<1x128xi32, #tpu.memory_space<vmem>>
        %dma_wait3A_503 = tpu.memref_squeeze %dma_wait3A_502 : memref<1x128xi32, #tpu.memory_space<vmem>> -> memref<128xi32, #tpu.memory_space<vmem>>
        %dma_wait3A_504 = arith.constant 0 : i32
        %dma_wait3A_505 = arith.constant 0 : i32
        %dma_wait3A_506 = tpu.memref_slice %arg9[%dma_wait3A_504, %dma_wait3A_505] : memref<10240x16xf32, #tpu.memory_space<vmem_shared>> -> memref<10240x16xf32, #tpu.memory_space<vmem_shared>>
        tpu.wait_indirect_dma semaphore(%arg10 : memref<!tpu.dma_semaphore, #tpu.memory_space<semaphore_mem>>) src(%dma_wait3A_500 : memref<128x16xf32, #tpu.memory_space<vmem>>) dst(%dma_wait3A_506 : memref<10240x16xf32, #tpu.memory_space<vmem_shared>>)
        %dma_wait3A_507 = arith.constant 0 : i32
        %dma_wait3A_508 = arith.constant 3 : i32
        %dma_wait3A_509 = arith.constant 384 : i32
        %dma_wait3A_510 = arith.constant 0 : i32
        %dma_wait3A_511 = tpu.memref_slice %arg8[%dma_wait3A_507, %dma_wait3A_509, %dma_wait3A_510] : memref<2x1024x16xf32, #tpu.memory_space<vmem>> -> memref<1x128x16xf32, #tpu.memory_space<vmem>>
        %dma_wait3A_512 = tpu.memref_squeeze %dma_wait3A_511 : memref<1x128x16xf32, #tpu.memory_space<vmem>> -> memref<128x16xf32, #tpu.memory_space<vmem>>
        %dma_wait3A_513 = arith.constant 0 : i32
        %dma_wait3A_514 = tpu.memref_slice %arg7[%dma_wait3A_508, %dma_wait3A_513] : memref<80x128xi32, #tpu.memory_space<vmem>> -> memref<1x128xi32, #tpu.memory_space<vmem>>
        %dma_wait3A_515 = tpu.memref_squeeze %dma_wait3A_514 : memref<1x128xi32, #tpu.memory_space<vmem>> -> memref<128xi32, #tpu.memory_space<vmem>>
        %dma_wait3A_516 = arith.constant 0 : i32
        %dma_wait3A_517 = arith.constant 0 : i32
        %dma_wait3A_518 = tpu.memref_slice %arg9[%dma_wait3A_516, %dma_wait3A_517] : memref<10240x16xf32, #tpu.memory_space<vmem_shared>> -> memref<10240x16xf32, #tpu.memory_space<vmem_shared>>
        tpu.wait_indirect_dma semaphore(%arg10 : memref<!tpu.dma_semaphore, #tpu.memory_space<semaphore_mem>>) src(%dma_wait3A_512 : memref<128x16xf32, #tpu.memory_space<vmem>>) dst(%dma_wait3A_518 : memref<10240x16xf32, #tpu.memory_space<vmem_shared>>)
        %dma_wait3A_519 = arith.constant 0 : i32
        %dma_wait3A_520 = arith.constant 4 : i32
        %dma_wait3A_521 = arith.constant 512 : i32
        %dma_wait3A_522 = arith.constant 0 : i32
        %dma_wait3A_523 = tpu.memref_slice %arg8[%dma_wait3A_519, %dma_wait3A_521, %dma_wait3A_522] : memref<2x1024x16xf32, #tpu.memory_space<vmem>> -> memref<1x128x16xf32, #tpu.memory_space<vmem>>
        %dma_wait3A_524 = tpu.memref_squeeze %dma_wait3A_523 : memref<1x128x16xf32, #tpu.memory_space<vmem>> -> memref<128x16xf32, #tpu.memory_space<vmem>>
        %dma_wait3A_525 = arith.constant 0 : i32
        %dma_wait3A_526 = tpu.memref_slice %arg7[%dma_wait3A_520, %dma_wait3A_525] : memref<80x128xi32, #tpu.memory_space<vmem>> -> memref<1x128xi32, #tpu.memory_space<vmem>>
        %dma_wait3A_527 = tpu.memref_squeeze %dma_wait3A_526 : memref<1x128xi32, #tpu.memory_space<vmem>> -> memref<128xi32, #tpu.memory_space<vmem>>
        %dma_wait3A_528 = arith.constant 0 : i32
        %dma_wait3A_529 = arith.constant 0 : i32
        %dma_wait3A_530 = tpu.memref_slice %arg9[%dma_wait3A_528, %dma_wait3A_529] : memref<10240x16xf32, #tpu.memory_space<vmem_shared>> -> memref<10240x16xf32, #tpu.memory_space<vmem_shared>>
        tpu.wait_indirect_dma semaphore(%arg10 : memref<!tpu.dma_semaphore, #tpu.memory_space<semaphore_mem>>) src(%dma_wait3A_524 : memref<128x16xf32, #tpu.memory_space<vmem>>) dst(%dma_wait3A_530 : memref<10240x16xf32, #tpu.memory_space<vmem_shared>>)
        %dma_wait3A_531 = arith.constant 0 : i32
        %dma_wait3A_532 = arith.constant 5 : i32
        %dma_wait3A_533 = arith.constant 640 : i32
        %dma_wait3A_534 = arith.constant 0 : i32
        %dma_wait3A_535 = tpu.memref_slice %arg8[%dma_wait3A_531, %dma_wait3A_533, %dma_wait3A_534] : memref<2x1024x16xf32, #tpu.memory_space<vmem>> -> memref<1x128x16xf32, #tpu.memory_space<vmem>>
        %dma_wait3A_536 = tpu.memref_squeeze %dma_wait3A_535 : memref<1x128x16xf32, #tpu.memory_space<vmem>> -> memref<128x16xf32, #tpu.memory_space<vmem>>
        %dma_wait3A_537 = arith.constant 0 : i32
        %dma_wait3A_538 = tpu.memref_slice %arg7[%dma_wait3A_532, %dma_wait3A_537] : memref<80x128xi32, #tpu.memory_space<vmem>> -> memref<1x128xi32, #tpu.memory_space<vmem>>
        %dma_wait3A_539 = tpu.memref_squeeze %dma_wait3A_538 : memref<1x128xi32, #tpu.memory_space<vmem>> -> memref<128xi32, #tpu.memory_space<vmem>>
        %dma_wait3A_540 = arith.constant 0 : i32
        %dma_wait3A_541 = arith.constant 0 : i32
        %dma_wait3A_542 = tpu.memref_slice %arg9[%dma_wait3A_540, %dma_wait3A_541] : memref<10240x16xf32, #tpu.memory_space<vmem_shared>> -> memref<10240x16xf32, #tpu.memory_space<vmem_shared>>
        tpu.wait_indirect_dma semaphore(%arg10 : memref<!tpu.dma_semaphore, #tpu.memory_space<semaphore_mem>>) src(%dma_wait3A_536 : memref<128x16xf32, #tpu.memory_space<vmem>>) dst(%dma_wait3A_542 : memref<10240x16xf32, #tpu.memory_space<vmem_shared>>)
        %dma_wait3A_543 = arith.constant 0 : i32
        %dma_wait3A_544 = arith.constant 6 : i32
        %dma_wait3A_545 = arith.constant 768 : i32
        %dma_wait3A_546 = arith.constant 0 : i32
        %dma_wait3A_547 = tpu.memref_slice %arg8[%dma_wait3A_543, %dma_wait3A_545, %dma_wait3A_546] : memref<2x1024x16xf32, #tpu.memory_space<vmem>> -> memref<1x128x16xf32, #tpu.memory_space<vmem>>
        %dma_wait3A_548 = tpu.memref_squeeze %dma_wait3A_547 : memref<1x128x16xf32, #tpu.memory_space<vmem>> -> memref<128x16xf32, #tpu.memory_space<vmem>>
        %dma_wait3A_549 = arith.constant 0 : i32
        %dma_wait3A_550 = tpu.memref_slice %arg7[%dma_wait3A_544, %dma_wait3A_549] : memref<80x128xi32, #tpu.memory_space<vmem>> -> memref<1x128xi32, #tpu.memory_space<vmem>>
        %dma_wait3A_551 = tpu.memref_squeeze %dma_wait3A_550 : memref<1x128xi32, #tpu.memory_space<vmem>> -> memref<128xi32, #tpu.memory_space<vmem>>
        %dma_wait3A_552 = arith.constant 0 : i32
        %dma_wait3A_553 = arith.constant 0 : i32
        %dma_wait3A_554 = tpu.memref_slice %arg9[%dma_wait3A_552, %dma_wait3A_553] : memref<10240x16xf32, #tpu.memory_space<vmem_shared>> -> memref<10240x16xf32, #tpu.memory_space<vmem_shared>>
        tpu.wait_indirect_dma semaphore(%arg10 : memref<!tpu.dma_semaphore, #tpu.memory_space<semaphore_mem>>) src(%dma_wait3A_548 : memref<128x16xf32, #tpu.memory_space<vmem>>) dst(%dma_wait3A_554 : memref<10240x16xf32, #tpu.memory_space<vmem_shared>>)
        %dma_wait3A_555 = arith.constant 0 : i32
        %dma_wait3A_556 = arith.constant 7 : i32
        %dma_wait3A_557 = arith.constant 896 : i32
        %dma_wait3A_558 = arith.constant 0 : i32
        %dma_wait3A_559 = tpu.memref_slice %arg8[%dma_wait3A_555, %dma_wait3A_557, %dma_wait3A_558] : memref<2x1024x16xf32, #tpu.memory_space<vmem>> -> memref<1x128x16xf32, #tpu.memory_space<vmem>>
        %dma_wait3A_560 = tpu.memref_squeeze %dma_wait3A_559 : memref<1x128x16xf32, #tpu.memory_space<vmem>> -> memref<128x16xf32, #tpu.memory_space<vmem>>
        %dma_wait3A_561 = arith.constant 0 : i32
        %dma_wait3A_562 = tpu.memref_slice %arg7[%dma_wait3A_556, %dma_wait3A_561] : memref<80x128xi32, #tpu.memory_space<vmem>> -> memref<1x128xi32, #tpu.memory_space<vmem>>
        %dma_wait3A_563 = tpu.memref_squeeze %dma_wait3A_562 : memref<1x128xi32, #tpu.memory_space<vmem>> -> memref<128xi32, #tpu.memory_space<vmem>>
        %dma_wait3A_564 = arith.constant 0 : i32
        %dma_wait3A_565 = arith.constant 0 : i32
        %dma_wait3A_566 = tpu.memref_slice %arg9[%dma_wait3A_564, %dma_wait3A_565] : memref<10240x16xf32, #tpu.memory_space<vmem_shared>> -> memref<10240x16xf32, #tpu.memory_space<vmem_shared>>
        tpu.wait_indirect_dma semaphore(%arg10 : memref<!tpu.dma_semaphore, #tpu.memory_space<semaphore_mem>>) src(%dma_wait3A_560 : memref<128x16xf32, #tpu.memory_space<vmem>>) dst(%dma_wait3A_566 : memref<10240x16xf32, #tpu.memory_space<vmem_shared>>)
      } else {
      }
      %add3A_213 = arith.constant 0 : i32
      %add3A_214 = arith.addi %mul3A_210, %add3A_213 : i32
      %parallel_loop3A = arith.constant 0 : i32
      %parallel_loop3A_215 = arith.constant 64 : i32
      %parallel_loop3A_216 = arith.constant 1 : i32
      scf.for %parallel_loop3A_471 = %parallel_loop3A to %parallel_loop3A_215 step %parallel_loop3A_216  : i32 {
        %parallel_loop3A_472 = arith.constant 1024 : i32
        %parallel_loop3A_473 = arith.muli %add3A_214, %parallel_loop3A_472 : i32
        %parallel_loop3A_474 = arith.constant 16 : i32
        %parallel_loop3A_475 = arith.muli %parallel_loop3A_471, %parallel_loop3A_474 : i32
        %parallel_loop3A_476 = arith.addi %parallel_loop3A_473, %parallel_loop3A_475 : i32
        %parallel_loop3A_477 = arith.index_cast %parallel_loop3A_476 : i32 to index
        %parallel_loop3A_478 = tpu.vector_load %arg6[%parallel_loop3A_477] {strides = array<i32>} : memref<10240xf32, #tpu.memory_space<vmem>>, vector<16xf32>,
        %parallel_loop3A_479 = vector.shape_cast %parallel_loop3A_478 : vector<16xf32> to vector<16xf32>
        %parallel_loop3A_480 = arith.constant 16 : i32
        %parallel_loop3A_481 = arith.muli %parallel_loop3A_471, %parallel_loop3A_480 : i32
        %parallel_loop3A_482 = arith.constant 0 : i32
        %parallel_loop3A_483 = arith.addi %parallel_loop3A_481, %parallel_loop3A_482 : i32
        %parallel_loop3A_484 = arith.constant 0 : i32
        %parallel_loop3A_485 = vector.broadcast %parallel_loop3A_484 : i32 to vector<16x1xi32>
        %parallel_loop3A_486 = vector.shape_cast %parallel_loop3A_485 : vector<16x1xi32> to vector<16xi32>
        %parallel_loop3A_487 = tpu.dynamic_gather %parallel_loop3A_479[%parallel_loop3A_486] in [0] : vector<16xf32>, vector<16xi32> -> vector<16xf32>
        %parallel_loop3A_488 = arith.constant 0.000000e+00 : f32
        %parallel_loop3A_489 = vector.broadcast %parallel_loop3A_488 : f32 to vector<16xf32>
        %parallel_loop3A_490 = arith.select %eq3A_4, %parallel_loop3A_487, %parallel_loop3A_489 : vector<16xi1>, vector<16xf32>
        %parallel_loop3A_491 = arith.constant 0 : i32
        %parallel_loop3A_492 = arith.index_cast %parallel_loop3A_491 : i32 to index
        %parallel_loop3A_493 = arith.index_cast %parallel_loop3A_483 : i32 to index
        %parallel_loop3A_494 = arith.constant 0 : index
        %parallel_loop3A_495 = tpu.vector_load %arg8[%parallel_loop3A_492, %parallel_loop3A_493, %parallel_loop3A_494] {strides = array<i32>} : memref<2x1024x16xf32, #tpu.memory_space<vmem>>, vector<1x1x16xf32>,
        %parallel_loop3A_496 = vector.shape_cast %parallel_loop3A_495 : vector<1x1x16xf32> to vector<16xf32>
        %parallel_loop3A_497 = vector.shape_cast %parallel_loop3A_490 : vector<16xf32> to vector<1x1x16xf32>
        tpu.vector_store %arg8[%parallel_loop3A_492, %parallel_loop3A_493, %parallel_loop3A_494], %parallel_loop3A_497 {strides = array<i32>} : memref<2x1024x16xf32, #tpu.memory_space<vmem>>, vector<1x1x16xf32>,
        %parallel_loop3A_498 = arith.constant 16 : i32
        %parallel_loop3A_499 = arith.muli %parallel_loop3A_471, %parallel_loop3A_498 : i32
        %parallel_loop3A_500 = arith.constant 1 : i32
        %parallel_loop3A_501 = arith.addi %parallel_loop3A_499, %parallel_loop3A_500 : i32
        %parallel_loop3A_502 = arith.constant 1 : i32
        %parallel_loop3A_503 = vector.broadcast %parallel_loop3A_502 : i32 to vector<16x1xi32>
        %parallel_loop3A_504 = vector.shape_cast %parallel_loop3A_503 : vector<16x1xi32> to vector<16xi32>
        %parallel_loop3A_505 = tpu.dynamic_gather %parallel_loop3A_479[%parallel_loop3A_504] in [0] : vector<16xf32>, vector<16xi32> -> vector<16xf32>
        %parallel_loop3A_506 = arith.constant 0.000000e+00 : f32
        %parallel_loop3A_507 = vector.broadcast %parallel_loop3A_506 : f32 to vector<16xf32>
        %parallel_loop3A_508 = arith.select %eq3A_4, %parallel_loop3A_505, %parallel_loop3A_507 : vector<16xi1>, vector<16xf32>
        %parallel_loop3A_509 = arith.constant 0 : i32
        %parallel_loop3A_510 = arith.index_cast %parallel_loop3A_509 : i32 to index
        %parallel_loop3A_511 = arith.index_cast %parallel_loop3A_501 : i32 to index
        %parallel_loop3A_512 = arith.constant 0 : index
        %parallel_loop3A_513 = tpu.vector_load %arg8[%parallel_loop3A_510, %parallel_loop3A_511, %parallel_loop3A_512] {strides = array<i32>} : memref<2x1024x16xf32, #tpu.memory_space<vmem>>, vector<1x1x16xf32>,
        %parallel_loop3A_514 = vector.shape_cast %parallel_loop3A_513 : vector<1x1x16xf32> to vector<16xf32>
        %parallel_loop3A_515 = vector.shape_cast %parallel_loop3A_508 : vector<16xf32> to vector<1x1x16xf32>
        tpu.vector_store %arg8[%parallel_loop3A_510, %parallel_loop3A_511, %parallel_loop3A_512], %parallel_loop3A_515 {strides = array<i32>} : memref<2x1024x16xf32, #tpu.memory_space<vmem>>, vector<1x1x16xf32>,
        %parallel_loop3A_516 = arith.constant 16 : i32
        %parallel_loop3A_517 = arith.muli %parallel_loop3A_471, %parallel_loop3A_516 : i32
        %parallel_loop3A_518 = arith.constant 2 : i32
        %parallel_loop3A_519 = arith.addi %parallel_loop3A_517, %parallel_loop3A_518 : i32
        %parallel_loop3A_520 = arith.constant 2 : i32
        %parallel_loop3A_521 = vector.broadcast %parallel_loop3A_520 : i32 to vector<16x1xi32>
        %parallel_loop3A_522 = vector.shape_cast %parallel_loop3A_521 : vector<16x1xi32> to vector<16xi32>
        %parallel_loop3A_523 = tpu.dynamic_gather %parallel_loop3A_479[%parallel_loop3A_522] in [0] : vector<16xf32>, vector<16xi32> -> vector<16xf32>
        %parallel_loop3A_524 = arith.constant 0.000000e+00 : f32
        %parallel_loop3A_525 = vector.broadcast %parallel_loop3A_524 : f32 to vector<16xf32>
        %parallel_loop3A_526 = arith.select %eq3A_4, %parallel_loop3A_523, %parallel_loop3A_525 : vector<16xi1>, vector<16xf32>
        %parallel_loop3A_527 = arith.constant 0 : i32
        %parallel_loop3A_528 = arith.index_cast %parallel_loop3A_527 : i32 to index
        %parallel_loop3A_529 = arith.index_cast %parallel_loop3A_519 : i32 to index
        %parallel_loop3A_530 = arith.constant 0 : index
        %parallel_loop3A_531 = tpu.vector_load %arg8[%parallel_loop3A_528, %parallel_loop3A_529, %parallel_loop3A_530] {strides = array<i32>} : memref<2x1024x16xf32, #tpu.memory_space<vmem>>, vector<1x1x16xf32>,
        %parallel_loop3A_532 = vector.shape_cast %parallel_loop3A_531 : vector<1x1x16xf32> to vector<16xf32>
        %parallel_loop3A_533 = vector.shape_cast %parallel_loop3A_526 : vector<16xf32> to vector<1x1x16xf32>
        tpu.vector_store %arg8[%parallel_loop3A_528, %parallel_loop3A_529, %parallel_loop3A_530], %parallel_loop3A_533 {strides = array<i32>} : memref<2x1024x16xf32, #tpu.memory_space<vmem>>, vector<1x1x16xf32>,
        %parallel_loop3A_534 = arith.constant 16 : i32
        %parallel_loop3A_535 = arith.muli %parallel_loop3A_471, %parallel_loop3A_534 : i32
        %parallel_loop3A_536 = arith.constant 3 : i32
        %parallel_loop3A_537 = arith.addi %parallel_loop3A_535, %parallel_loop3A_536 : i32
        %parallel_loop3A_538 = arith.constant 3 : i32
        %parallel_loop3A_539 = vector.broadcast %parallel_loop3A_538 : i32 to vector<16x1xi32>
        %parallel_loop3A_540 = vector.shape_cast %parallel_loop3A_539 : vector<16x1xi32> to vector<16xi32>
        %parallel_loop3A_541 = tpu.dynamic_gather %parallel_loop3A_479[%parallel_loop3A_540] in [0] : vector<16xf32>, vector<16xi32> -> vector<16xf32>
        %parallel_loop3A_542 = arith.constant 0.000000e+00 : f32
        %parallel_loop3A_543 = vector.broadcast %parallel_loop3A_542 : f32 to vector<16xf32>
        %parallel_loop3A_544 = arith.select %eq3A_4, %parallel_loop3A_541, %parallel_loop3A_543 : vector<16xi1>, vector<16xf32>
        %parallel_loop3A_545 = arith.constant 0 : i32
        %parallel_loop3A_546 = arith.index_cast %parallel_loop3A_545 : i32 to index
        %parallel_loop3A_547 = arith.index_cast %parallel_loop3A_537 : i32 to index
        %parallel_loop3A_548 = arith.constant 0 : index
        %parallel_loop3A_549 = tpu.vector_load %arg8[%parallel_loop3A_546, %parallel_loop3A_547, %parallel_loop3A_548] {strides = array<i32>} : memref<2x1024x16xf32, #tpu.memory_space<vmem>>, vector<1x1x16xf32>,
        %parallel_loop3A_550 = vector.shape_cast %parallel_loop3A_549 : vector<1x1x16xf32> to vector<16xf32>
        %parallel_loop3A_551 = vector.shape_cast %parallel_loop3A_544 : vector<16xf32> to vector<1x1x16xf32>
        tpu.vector_store %arg8[%parallel_loop3A_546, %parallel_loop3A_547, %parallel_loop3A_548], %parallel_loop3A_551 {strides = array<i32>} : memref<2x1024x16xf32, #tpu.memory_space<vmem>>, vector<1x1x16xf32>,
        %parallel_loop3A_552 = arith.constant 16 : i32
        %parallel_loop3A_553 = arith.muli %parallel_loop3A_471, %parallel_loop3A_552 : i32
        %parallel_loop3A_554 = arith.constant 4 : i32
        %parallel_loop3A_555 = arith.addi %parallel_loop3A_553, %parallel_loop3A_554 : i32
        %parallel_loop3A_556 = arith.constant 4 : i32
        %parallel_loop3A_557 = vector.broadcast %parallel_loop3A_556 : i32 to vector<16x1xi32>
        %parallel_loop3A_558 = vector.shape_cast %parallel_loop3A_557 : vector<16x1xi32> to vector<16xi32>
        %parallel_loop3A_559 = tpu.dynamic_gather %parallel_loop3A_479[%parallel_loop3A_558] in [0] : vector<16xf32>, vector<16xi32> -> vector<16xf32>
        %parallel_loop3A_560 = arith.constant 0.000000e+00 : f32
        %parallel_loop3A_561 = vector.broadcast %parallel_loop3A_560 : f32 to vector<16xf32>
        %parallel_loop3A_562 = arith.select %eq3A_4, %parallel_loop3A_559, %parallel_loop3A_561 : vector<16xi1>, vector<16xf32>
        %parallel_loop3A_563 = arith.constant 0 : i32
        %parallel_loop3A_564 = arith.index_cast %parallel_loop3A_563 : i32 to index
        %parallel_loop3A_565 = arith.index_cast %parallel_loop3A_555 : i32 to index
        %parallel_loop3A_566 = arith.constant 0 : index
        %parallel_loop3A_567 = tpu.vector_load %arg8[%parallel_loop3A_564, %parallel_loop3A_565, %parallel_loop3A_566] {strides = array<i32>} : memref<2x1024x16xf32, #tpu.memory_space<vmem>>, vector<1x1x16xf32>,
        %parallel_loop3A_568 = vector.shape_cast %parallel_loop3A_567 : vector<1x1x16xf32> to vector<16xf32>
        %parallel_loop3A_569 = vector.shape_cast %parallel_loop3A_562 : vector<16xf32> to vector<1x1x16xf32>
        tpu.vector_store %arg8[%parallel_loop3A_564, %parallel_loop3A_565, %parallel_loop3A_566], %parallel_loop3A_569 {strides = array<i32>} : memref<2x1024x16xf32, #tpu.memory_space<vmem>>, vector<1x1x16xf32>,
        %parallel_loop3A_570 = arith.constant 16 : i32
        %parallel_loop3A_571 = arith.muli %parallel_loop3A_471, %parallel_loop3A_570 : i32
        %parallel_loop3A_572 = arith.constant 5 : i32
        %parallel_loop3A_573 = arith.addi %parallel_loop3A_571, %parallel_loop3A_572 : i32
        %parallel_loop3A_574 = arith.constant 5 : i32
        %parallel_loop3A_575 = vector.broadcast %parallel_loop3A_574 : i32 to vector<16x1xi32>
        %parallel_loop3A_576 = vector.shape_cast %parallel_loop3A_575 : vector<16x1xi32> to vector<16xi32>
        %parallel_loop3A_577 = tpu.dynamic_gather %parallel_loop3A_479[%parallel_loop3A_576] in [0] : vector<16xf32>, vector<16xi32> -> vector<16xf32>
        %parallel_loop3A_578 = arith.constant 0.000000e+00 : f32
        %parallel_loop3A_579 = vector.broadcast %parallel_loop3A_578 : f32 to vector<16xf32>
        %parallel_loop3A_580 = arith.select %eq3A_4, %parallel_loop3A_577, %parallel_loop3A_579 : vector<16xi1>, vector<16xf32>
        %parallel_loop3A_581 = arith.constant 0 : i32
        %parallel_loop3A_582 = arith.index_cast %parallel_loop3A_581 : i32 to index
        %parallel_loop3A_583 = arith.index_cast %parallel_loop3A_573 : i32 to index
        %parallel_loop3A_584 = arith.constant 0 : index
        %parallel_loop3A_585 = tpu.vector_load %arg8[%parallel_loop3A_582, %parallel_loop3A_583, %parallel_loop3A_584] {strides = array<i32>} : memref<2x1024x16xf32, #tpu.memory_space<vmem>>, vector<1x1x16xf32>,
        %parallel_loop3A_586 = vector.shape_cast %parallel_loop3A_585 : vector<1x1x16xf32> to vector<16xf32>
        %parallel_loop3A_587 = vector.shape_cast %parallel_loop3A_580 : vector<16xf32> to vector<1x1x16xf32>
        tpu.vector_store %arg8[%parallel_loop3A_582, %parallel_loop3A_583, %parallel_loop3A_584], %parallel_loop3A_587 {strides = array<i32>} : memref<2x1024x16xf32, #tpu.memory_space<vmem>>, vector<1x1x16xf32>,
        %parallel_loop3A_588 = arith.constant 16 : i32
        %parallel_loop3A_589 = arith.muli %parallel_loop3A_471, %parallel_loop3A_588 : i32
        %parallel_loop3A_590 = arith.constant 6 : i32
        %parallel_loop3A_591 = arith.addi %parallel_loop3A_589, %parallel_loop3A_590 : i32
        %parallel_loop3A_592 = arith.constant 6 : i32
        %parallel_loop3A_593 = vector.broadcast %parallel_loop3A_592 : i32 to vector<16x1xi32>
        %parallel_loop3A_594 = vector.shape_cast %parallel_loop3A_593 : vector<16x1xi32> to vector<16xi32>
        %parallel_loop3A_595 = tpu.dynamic_gather %parallel_loop3A_479[%parallel_loop3A_594] in [0] : vector<16xf32>, vector<16xi32> -> vector<16xf32>
        %parallel_loop3A_596 = arith.constant 0.000000e+00 : f32
        %parallel_loop3A_597 = vector.broadcast %parallel_loop3A_596 : f32 to vector<16xf32>
        %parallel_loop3A_598 = arith.select %eq3A_4, %parallel_loop3A_595, %parallel_loop3A_597 : vector<16xi1>, vector<16xf32>
        %parallel_loop3A_599 = arith.constant 0 : i32
        %parallel_loop3A_600 = arith.index_cast %parallel_loop3A_599 : i32 to index
        %parallel_loop3A_601 = arith.index_cast %parallel_loop3A_591 : i32 to index
        %parallel_loop3A_602 = arith.constant 0 : index
        %parallel_loop3A_603 = tpu.vector_load %arg8[%parallel_loop3A_600, %parallel_loop3A_601, %parallel_loop3A_602] {strides = array<i32>} : memref<2x1024x16xf32, #tpu.memory_space<vmem>>, vector<1x1x16xf32>,
        %parallel_loop3A_604 = vector.shape_cast %parallel_loop3A_603 : vector<1x1x16xf32> to vector<16xf32>
        %parallel_loop3A_605 = vector.shape_cast %parallel_loop3A_598 : vector<16xf32> to vector<1x1x16xf32>
        tpu.vector_store %arg8[%parallel_loop3A_600, %parallel_loop3A_601, %parallel_loop3A_602], %parallel_loop3A_605 {strides = array<i32>} : memref<2x1024x16xf32, #tpu.memory_space<vmem>>, vector<1x1x16xf32>,
        %parallel_loop3A_606 = arith.constant 16 : i32
        %parallel_loop3A_607 = arith.muli %parallel_loop3A_471, %parallel_loop3A_606 : i32
        %parallel_loop3A_608 = arith.constant 7 : i32
        %parallel_loop3A_609 = arith.addi %parallel_loop3A_607, %parallel_loop3A_608 : i32
        %parallel_loop3A_610 = arith.constant 7 : i32
        %parallel_loop3A_611 = vector.broadcast %parallel_loop3A_610 : i32 to vector<16x1xi32>
        %parallel_loop3A_612 = vector.shape_cast %parallel_loop3A_611 : vector<16x1xi32> to vector<16xi32>
        %parallel_loop3A_613 = tpu.dynamic_gather %parallel_loop3A_479[%parallel_loop3A_612] in [0] : vector<16xf32>, vector<16xi32> -> vector<16xf32>
        %parallel_loop3A_614 = arith.constant 0.000000e+00 : f32
        %parallel_loop3A_615 = vector.broadcast %parallel_loop3A_614 : f32 to vector<16xf32>
        %parallel_loop3A_616 = arith.select %eq3A_4, %parallel_loop3A_613, %parallel_loop3A_615 : vector<16xi1>, vector<16xf32>
        %parallel_loop3A_617 = arith.constant 0 : i32
        %parallel_loop3A_618 = arith.index_cast %parallel_loop3A_617 : i32 to index
        %parallel_loop3A_619 = arith.index_cast %parallel_loop3A_609 : i32 to index
        %parallel_loop3A_620 = arith.constant 0 : index
        %parallel_loop3A_621 = tpu.vector_load %arg8[%parallel_loop3A_618, %parallel_loop3A_619, %parallel_loop3A_620] {strides = array<i32>} : memref<2x1024x16xf32, #tpu.memory_space<vmem>>, vector<1x1x16xf32>,
        %parallel_loop3A_622 = vector.shape_cast %parallel_loop3A_621 : vector<1x1x16xf32> to vector<16xf32>
        %parallel_loop3A_623 = vector.shape_cast %parallel_loop3A_616 : vector<16xf32> to vector<1x1x16xf32>
        tpu.vector_store %arg8[%parallel_loop3A_618, %parallel_loop3A_619, %parallel_loop3A_620], %parallel_loop3A_623 {strides = array<i32>} : memref<2x1024x16xf32, #tpu.memory_space<vmem>>, vector<1x1x16xf32>,
        %parallel_loop3A_624 = arith.constant 16 : i32
        %parallel_loop3A_625 = arith.muli %parallel_loop3A_471, %parallel_loop3A_624 : i32
        %parallel_loop3A_626 = arith.constant 8 : i32
        %parallel_loop3A_627 = arith.addi %parallel_loop3A_625, %parallel_loop3A_626 : i32
        %parallel_loop3A_628 = arith.constant 8 : i32
        %parallel_loop3A_629 = vector.broadcast %parallel_loop3A_628 : i32 to vector<16x1xi32>
        %parallel_loop3A_630 = vector.shape_cast %parallel_loop3A_629 : vector<16x1xi32> to vector<16xi32>
        %parallel_loop3A_631 = tpu.dynamic_gather %parallel_loop3A_479[%parallel_loop3A_630] in [0] : vector<16xf32>, vector<16xi32> -> vector<16xf32>
        %parallel_loop3A_632 = arith.constant 0.000000e+00 : f32
        %parallel_loop3A_633 = vector.broadcast %parallel_loop3A_632 : f32 to vector<16xf32>
        %parallel_loop3A_634 = arith.select %eq3A_4, %parallel_loop3A_631, %parallel_loop3A_633 : vector<16xi1>, vector<16xf32>
        %parallel_loop3A_635 = arith.constant 0 : i32
        %parallel_loop3A_636 = arith.index_cast %parallel_loop3A_635 : i32 to index
        %parallel_loop3A_637 = arith.index_cast %parallel_loop3A_627 : i32 to index
        %parallel_loop3A_638 = arith.constant 0 : index
        %parallel_loop3A_639 = tpu.vector_load %arg8[%parallel_loop3A_636, %parallel_loop3A_637, %parallel_loop3A_638] {strides = array<i32>} : memref<2x1024x16xf32, #tpu.memory_space<vmem>>, vector<1x1x16xf32>,
        %parallel_loop3A_640 = vector.shape_cast %parallel_loop3A_639 : vector<1x1x16xf32> to vector<16xf32>
        %parallel_loop3A_641 = vector.shape_cast %parallel_loop3A_634 : vector<16xf32> to vector<1x1x16xf32>
        tpu.vector_store %arg8[%parallel_loop3A_636, %parallel_loop3A_637, %parallel_loop3A_638], %parallel_loop3A_641 {strides = array<i32>} : memref<2x1024x16xf32, #tpu.memory_space<vmem>>, vector<1x1x16xf32>,
        %parallel_loop3A_642 = arith.constant 16 : i32
        %parallel_loop3A_643 = arith.muli %parallel_loop3A_471, %parallel_loop3A_642 : i32
        %parallel_loop3A_644 = arith.constant 9 : i32
        %parallel_loop3A_645 = arith.addi %parallel_loop3A_643, %parallel_loop3A_644 : i32
        %parallel_loop3A_646 = arith.constant 9 : i32
        %parallel_loop3A_647 = vector.broadcast %parallel_loop3A_646 : i32 to vector<16x1xi32>
        %parallel_loop3A_648 = vector.shape_cast %parallel_loop3A_647 : vector<16x1xi32> to vector<16xi32>
        %parallel_loop3A_649 = tpu.dynamic_gather %parallel_loop3A_479[%parallel_loop3A_648] in [0] : vector<16xf32>, vector<16xi32> -> vector<16xf32>
        %parallel_loop3A_650 = arith.constant 0.000000e+00 : f32
        %parallel_loop3A_651 = vector.broadcast %parallel_loop3A_650 : f32 to vector<16xf32>
        %parallel_loop3A_652 = arith.select %eq3A_4, %parallel_loop3A_649, %parallel_loop3A_651 : vector<16xi1>, vector<16xf32>
        %parallel_loop3A_653 = arith.constant 0 : i32
        %parallel_loop3A_654 = arith.index_cast %parallel_loop3A_653 : i32 to index
        %parallel_loop3A_655 = arith.index_cast %parallel_loop3A_645 : i32 to index
        %parallel_loop3A_656 = arith.constant 0 : index
        %parallel_loop3A_657 = tpu.vector_load %arg8[%parallel_loop3A_654, %parallel_loop3A_655, %parallel_loop3A_656] {strides = array<i32>} : memref<2x1024x16xf32, #tpu.memory_space<vmem>>, vector<1x1x16xf32>,
        %parallel_loop3A_658 = vector.shape_cast %parallel_loop3A_657 : vector<1x1x16xf32> to vector<16xf32>
        %parallel_loop3A_659 = vector.shape_cast %parallel_loop3A_652 : vector<16xf32> to vector<1x1x16xf32>
        tpu.vector_store %arg8[%parallel_loop3A_654, %parallel_loop3A_655, %parallel_loop3A_656], %parallel_loop3A_659 {strides = array<i32>} : memref<2x1024x16xf32, #tpu.memory_space<vmem>>, vector<1x1x16xf32>,
        %parallel_loop3A_660 = arith.constant 16 : i32
        %parallel_loop3A_661 = arith.muli %parallel_loop3A_471, %parallel_loop3A_660 : i32
        %parallel_loop3A_662 = arith.constant 10 : i32
        %parallel_loop3A_663 = arith.addi %parallel_loop3A_661, %parallel_loop3A_662 : i32
        %parallel_loop3A_664 = arith.constant 10 : i32
        %parallel_loop3A_665 = vector.broadcast %parallel_loop3A_664 : i32 to vector<16x1xi32>
        %parallel_loop3A_666 = vector.shape_cast %parallel_loop3A_665 : vector<16x1xi32> to vector<16xi32>
        %parallel_loop3A_667 = tpu.dynamic_gather %parallel_loop3A_479[%parallel_loop3A_666] in [0] : vector<16xf32>, vector<16xi32> -> vector<16xf32>
        %parallel_loop3A_668 = arith.constant 0.000000e+00 : f32
        %parallel_loop3A_669 = vector.broadcast %parallel_loop3A_668 : f32 to vector<16xf32>
        %parallel_loop3A_670 = arith.select %eq3A_4, %parallel_loop3A_667, %parallel_loop3A_669 : vector<16xi1>, vector<16xf32>
        %parallel_loop3A_671 = arith.constant 0 : i32
        %parallel_loop3A_672 = arith.index_cast %parallel_loop3A_671 : i32 to index
        %parallel_loop3A_673 = arith.index_cast %parallel_loop3A_663 : i32 to index
        %parallel_loop3A_674 = arith.constant 0 : index
        %parallel_loop3A_675 = tpu.vector_load %arg8[%parallel_loop3A_672, %parallel_loop3A_673, %parallel_loop3A_674] {strides = array<i32>} : memref<2x1024x16xf32, #tpu.memory_space<vmem>>, vector<1x1x16xf32>,
        %parallel_loop3A_676 = vector.shape_cast %parallel_loop3A_675 : vector<1x1x16xf32> to vector<16xf32>
        %parallel_loop3A_677 = vector.shape_cast %parallel_loop3A_670 : vector<16xf32> to vector<1x1x16xf32>
        tpu.vector_store %arg8[%parallel_loop3A_672, %parallel_loop3A_673, %parallel_loop3A_674], %parallel_loop3A_677 {strides = array<i32>} : memref<2x1024x16xf32, #tpu.memory_space<vmem>>, vector<1x1x16xf32>,
        %parallel_loop3A_678 = arith.constant 16 : i32
        %parallel_loop3A_679 = arith.muli %parallel_loop3A_471, %parallel_loop3A_678 : i32
        %parallel_loop3A_680 = arith.constant 11 : i32
        %parallel_loop3A_681 = arith.addi %parallel_loop3A_679, %parallel_loop3A_680 : i32
        %parallel_loop3A_682 = arith.constant 11 : i32
        %parallel_loop3A_683 = vector.broadcast %parallel_loop3A_682 : i32 to vector<16x1xi32>
        %parallel_loop3A_684 = vector.shape_cast %parallel_loop3A_683 : vector<16x1xi32> to vector<16xi32>
        %parallel_loop3A_685 = tpu.dynamic_gather %parallel_loop3A_479[%parallel_loop3A_684] in [0] : vector<16xf32>, vector<16xi32> -> vector<16xf32>
        %parallel_loop3A_686 = arith.constant 0.000000e+00 : f32
        %parallel_loop3A_687 = vector.broadcast %parallel_loop3A_686 : f32 to vector<16xf32>
        %parallel_loop3A_688 = arith.select %eq3A_4, %parallel_loop3A_685, %parallel_loop3A_687 : vector<16xi1>, vector<16xf32>
        %parallel_loop3A_689 = arith.constant 0 : i32
        %parallel_loop3A_690 = arith.index_cast %parallel_loop3A_689 : i32 to index
        %parallel_loop3A_691 = arith.index_cast %parallel_loop3A_681 : i32 to index
        %parallel_loop3A_692 = arith.constant 0 : index
        %parallel_loop3A_693 = tpu.vector_load %arg8[%parallel_loop3A_690, %parallel_loop3A_691, %parallel_loop3A_692] {strides = array<i32>} : memref<2x1024x16xf32, #tpu.memory_space<vmem>>, vector<1x1x16xf32>,
        %parallel_loop3A_694 = vector.shape_cast %parallel_loop3A_693 : vector<1x1x16xf32> to vector<16xf32>
        %parallel_loop3A_695 = vector.shape_cast %parallel_loop3A_688 : vector<16xf32> to vector<1x1x16xf32>
        tpu.vector_store %arg8[%parallel_loop3A_690, %parallel_loop3A_691, %parallel_loop3A_692], %parallel_loop3A_695 {strides = array<i32>} : memref<2x1024x16xf32, #tpu.memory_space<vmem>>, vector<1x1x16xf32>,
        %parallel_loop3A_696 = arith.constant 16 : i32
        %parallel_loop3A_697 = arith.muli %parallel_loop3A_471, %parallel_loop3A_696 : i32
        %parallel_loop3A_698 = arith.constant 12 : i32
        %parallel_loop3A_699 = arith.addi %parallel_loop3A_697, %parallel_loop3A_698 : i32
        %parallel_loop3A_700 = arith.constant 12 : i32
        %parallel_loop3A_701 = vector.broadcast %parallel_loop3A_700 : i32 to vector<16x1xi32>
        %parallel_loop3A_702 = vector.shape_cast %parallel_loop3A_701 : vector<16x1xi32> to vector<16xi32>
        %parallel_loop3A_703 = tpu.dynamic_gather %parallel_loop3A_479[%parallel_loop3A_702] in [0] : vector<16xf32>, vector<16xi32> -> vector<16xf32>
        %parallel_loop3A_704 = arith.constant 0.000000e+00 : f32
        %parallel_loop3A_705 = vector.broadcast %parallel_loop3A_704 : f32 to vector<16xf32>
        %parallel_loop3A_706 = arith.select %eq3A_4, %parallel_loop3A_703, %parallel_loop3A_705 : vector<16xi1>, vector<16xf32>
        %parallel_loop3A_707 = arith.constant 0 : i32
        %parallel_loop3A_708 = arith.index_cast %parallel_loop3A_707 : i32 to index
        %parallel_loop3A_709 = arith.index_cast %parallel_loop3A_699 : i32 to index
        %parallel_loop3A_710 = arith.constant 0 : index
        %parallel_loop3A_711 = tpu.vector_load %arg8[%parallel_loop3A_708, %parallel_loop3A_709, %parallel_loop3A_710] {strides = array<i32>} : memref<2x1024x16xf32, #tpu.memory_space<vmem>>, vector<1x1x16xf32>,
        %parallel_loop3A_712 = vector.shape_cast %parallel_loop3A_711 : vector<1x1x16xf32> to vector<16xf32>
        %parallel_loop3A_713 = vector.shape_cast %parallel_loop3A_706 : vector<16xf32> to vector<1x1x16xf32>
        tpu.vector_store %arg8[%parallel_loop3A_708, %parallel_loop3A_709, %parallel_loop3A_710], %parallel_loop3A_713 {strides = array<i32>} : memref<2x1024x16xf32, #tpu.memory_space<vmem>>, vector<1x1x16xf32>,
        %parallel_loop3A_714 = arith.constant 16 : i32
        %parallel_loop3A_715 = arith.muli %parallel_loop3A_471, %parallel_loop3A_714 : i32
        %parallel_loop3A_716 = arith.constant 13 : i32
        %parallel_loop3A_717 = arith.addi %parallel_loop3A_715, %parallel_loop3A_716 : i32
        %parallel_loop3A_718 = arith.constant 13 : i32
        %parallel_loop3A_719 = vector.broadcast %parallel_loop3A_718 : i32 to vector<16x1xi32>
        %parallel_loop3A_720 = vector.shape_cast %parallel_loop3A_719 : vector<16x1xi32> to vector<16xi32>
        %parallel_loop3A_721 = tpu.dynamic_gather %parallel_loop3A_479[%parallel_loop3A_720] in [0] : vector<16xf32>, vector<16xi32> -> vector<16xf32>
        %parallel_loop3A_722 = arith.constant 0.000000e+00 : f32
        %parallel_loop3A_723 = vector.broadcast %parallel_loop3A_722 : f32 to vector<16xf32>
        %parallel_loop3A_724 = arith.select %eq3A_4, %parallel_loop3A_721, %parallel_loop3A_723 : vector<16xi1>, vector<16xf32>
        %parallel_loop3A_725 = arith.constant 0 : i32
        %parallel_loop3A_726 = arith.index_cast %parallel_loop3A_725 : i32 to index
        %parallel_loop3A_727 = arith.index_cast %parallel_loop3A_717 : i32 to index
        %parallel_loop3A_728 = arith.constant 0 : index
        %parallel_loop3A_729 = tpu.vector_load %arg8[%parallel_loop3A_726, %parallel_loop3A_727, %parallel_loop3A_728] {strides = array<i32>} : memref<2x1024x16xf32, #tpu.memory_space<vmem>>, vector<1x1x16xf32>,
        %parallel_loop3A_730 = vector.shape_cast %parallel_loop3A_729 : vector<1x1x16xf32> to vector<16xf32>
        %parallel_loop3A_731 = vector.shape_cast %parallel_loop3A_724 : vector<16xf32> to vector<1x1x16xf32>
        tpu.vector_store %arg8[%parallel_loop3A_726, %parallel_loop3A_727, %parallel_loop3A_728], %parallel_loop3A_731 {strides = array<i32>} : memref<2x1024x16xf32, #tpu.memory_space<vmem>>, vector<1x1x16xf32>,
        %parallel_loop3A_732 = arith.constant 16 : i32
        %parallel_loop3A_733 = arith.muli %parallel_loop3A_471, %parallel_loop3A_732 : i32
        %parallel_loop3A_734 = arith.constant 14 : i32
        %parallel_loop3A_735 = arith.addi %parallel_loop3A_733, %parallel_loop3A_734 : i32
        %parallel_loop3A_736 = arith.constant 14 : i32
        %parallel_loop3A_737 = vector.broadcast %parallel_loop3A_736 : i32 to vector<16x1xi32>
        %parallel_loop3A_738 = vector.shape_cast %parallel_loop3A_737 : vector<16x1xi32> to vector<16xi32>
        %parallel_loop3A_739 = tpu.dynamic_gather %parallel_loop3A_479[%parallel_loop3A_738] in [0] : vector<16xf32>, vector<16xi32> -> vector<16xf32>
        %parallel_loop3A_740 = arith.constant 0.000000e+00 : f32
        %parallel_loop3A_741 = vector.broadcast %parallel_loop3A_740 : f32 to vector<16xf32>
        %parallel_loop3A_742 = arith.select %eq3A_4, %parallel_loop3A_739, %parallel_loop3A_741 : vector<16xi1>, vector<16xf32>
        %parallel_loop3A_743 = arith.constant 0 : i32
        %parallel_loop3A_744 = arith.index_cast %parallel_loop3A_743 : i32 to index
        %parallel_loop3A_745 = arith.index_cast %parallel_loop3A_735 : i32 to index
        %parallel_loop3A_746 = arith.constant 0 : index
        %parallel_loop3A_747 = tpu.vector_load %arg8[%parallel_loop3A_744, %parallel_loop3A_745, %parallel_loop3A_746] {strides = array<i32>} : memref<2x1024x16xf32, #tpu.memory_space<vmem>>, vector<1x1x16xf32>,
        %parallel_loop3A_748 = vector.shape_cast %parallel_loop3A_747 : vector<1x1x16xf32> to vector<16xf32>
        %parallel_loop3A_749 = vector.shape_cast %parallel_loop3A_742 : vector<16xf32> to vector<1x1x16xf32>
        tpu.vector_store %arg8[%parallel_loop3A_744, %parallel_loop3A_745, %parallel_loop3A_746], %parallel_loop3A_749 {strides = array<i32>} : memref<2x1024x16xf32, #tpu.memory_space<vmem>>, vector<1x1x16xf32>,
        %parallel_loop3A_750 = arith.constant 16 : i32
        %parallel_loop3A_751 = arith.muli %parallel_loop3A_471, %parallel_loop3A_750 : i32
        %parallel_loop3A_752 = arith.constant 15 : i32
        %parallel_loop3A_753 = arith.addi %parallel_loop3A_751, %parallel_loop3A_752 : i32
        %parallel_loop3A_754 = arith.constant 15 : i32
        %parallel_loop3A_755 = vector.broadcast %parallel_loop3A_754 : i32 to vector<16x1xi32>
        %parallel_loop3A_756 = vector.shape_cast %parallel_loop3A_755 : vector<16x1xi32> to vector<16xi32>
        %parallel_loop3A_757 = tpu.dynamic_gather %parallel_loop3A_479[%parallel_loop3A_756] in [0] : vector<16xf32>, vector<16xi32> -> vector<16xf32>
        %parallel_loop3A_758 = arith.constant 0.000000e+00 : f32
        %parallel_loop3A_759 = vector.broadcast %parallel_loop3A_758 : f32 to vector<16xf32>
        %parallel_loop3A_760 = arith.select %eq3A_4, %parallel_loop3A_757, %parallel_loop3A_759 : vector<16xi1>, vector<16xf32>
        %parallel_loop3A_761 = arith.constant 0 : i32
        %parallel_loop3A_762 = arith.index_cast %parallel_loop3A_761 : i32 to index
        %parallel_loop3A_763 = arith.index_cast %parallel_loop3A_753 : i32 to index
        %parallel_loop3A_764 = arith.constant 0 : index
        %parallel_loop3A_765 = tpu.vector_load %arg8[%parallel_loop3A_762, %parallel_loop3A_763, %parallel_loop3A_764] {strides = array<i32>} : memref<2x1024x16xf32, #tpu.memory_space<vmem>>, vector<1x1x16xf32>,
        %parallel_loop3A_766 = vector.shape_cast %parallel_loop3A_765 : vector<1x1x16xf32> to vector<16xf32>
        %parallel_loop3A_767 = vector.shape_cast %parallel_loop3A_760 : vector<16xf32> to vector<1x1x16xf32>
        tpu.vector_store %arg8[%parallel_loop3A_762, %parallel_loop3A_763, %parallel_loop3A_764], %parallel_loop3A_767 {strides = array<i32>} : memref<2x1024x16xf32, #tpu.memory_space<vmem>>, vector<1x1x16xf32>,
      } {sc.loop_unroll_factor = 2 : i64, sc.parallel_access}
      %add3A_217 = arith.constant 0 : i32
      %add3A_218 = arith.addi %mul3A_210, %add3A_217 : i32
      %mul3A_219 = arith.constant 8 : i32
      %mul3A_220 = arith.muli %add3A_218, %mul3A_219 : i32
      %add3A_221 = arith.constant 0 : i32
      %add3A_222 = arith.addi %mul3A_220, %add3A_221 : i32
      %dma_start3A = arith.constant 0 : i32
      %dma_start3A_223 = arith.constant 0 : i32
      %dma_start3A_224 = arith.constant 0 : i32
      %dma_start3A_225 = tpu.memref_slice %arg8[%dma_start3A, %dma_start3A_223, %dma_start3A_224] : memref<2x1024x16xf32, #tpu.memory_space<vmem>> -> memref<1x128x16xf32, #tpu.memory_space<vmem>>
      %dma_start3A_226 = tpu.memref_squeeze %dma_start3A_225 : memref<1x128x16xf32, #tpu.memory_space<vmem>> -> memref<128x16xf32, #tpu.memory_space<vmem>>
      %dma_start3A_227 = arith.constant 0 : i32
      %dma_start3A_228 = tpu.memref_slice %arg7[%add3A_222, %dma_start3A_227] : memref<80x128xi32, #tpu.memory_space<vmem>> -> memref<1x128xi32, #tpu.memory_space<vmem>>
      %dma_start3A_229 = tpu.memref_squeeze %dma_start3A_228 : memref<1x128xi32, #tpu.memory_space<vmem>> -> memref<128xi32, #tpu.memory_space<vmem>>
      %dma_start3A_230 = arith.constant 0 : i32
      %dma_start3A_231 = arith.constant 0 : i32
      %dma_start3A_232 = tpu.memref_slice %arg9[%dma_start3A_230, %dma_start3A_231] : memref<10240x16xf32, #tpu.memory_space<vmem_shared>> -> memref<10240x16xf32, #tpu.memory_space<vmem_shared>>
      tpu.enqueue_indirect_dma source(%dma_start3A_226 : memref<128x16xf32, #tpu.memory_space<vmem>>) target(%dma_start3A_232 : memref<10240x16xf32, #tpu.memory_space<vmem_shared>>) offsets(%dma_start3A_229 : memref<128xi32, #tpu.memory_space<vmem>>) semaphore(%arg10 : memref<!tpu.dma_semaphore, #tpu.memory_space<semaphore_mem>>) {add = true}
      %mul3A_233 = arith.constant 8 : i32
      %mul3A_234 = arith.muli %add3A_218, %mul3A_233 : i32
      %add3A_235 = arith.constant 1 : i32
      %add3A_236 = arith.addi %mul3A_234, %add3A_235 : i32
      %dma_start3A_237 = arith.constant 0 : i32
      %dma_start3A_238 = arith.constant 128 : i32
      %dma_start3A_239 = arith.constant 0 : i32
      %dma_start3A_240 = tpu.memref_slice %arg8[%dma_start3A_237, %dma_start3A_238, %dma_start3A_239] : memref<2x1024x16xf32, #tpu.memory_space<vmem>> -> memref<1x128x16xf32, #tpu.memory_space<vmem>>
      %dma_start3A_241 = tpu.memref_squeeze %dma_start3A_240 : memref<1x128x16xf32, #tpu.memory_space<vmem>> -> memref<128x16xf32, #tpu.memory_space<vmem>>
      %dma_start3A_242 = arith.constant 0 : i32
      %dma_start3A_243 = tpu.memref_slice %arg7[%add3A_236, %dma_start3A_242] : memref<80x128xi32, #tpu.memory_space<vmem>> -> memref<1x128xi32, #tpu.memory_space<vmem>>
      %dma_start3A_244 = tpu.memref_squeeze %dma_start3A_243 : memref<1x128xi32, #tpu.memory_space<vmem>> -> memref<128xi32, #tpu.memory_space<vmem>>
      %dma_start3A_245 = arith.constant 0 : i32
      %dma_start3A_246 = arith.constant 0 : i32
      %dma_start3A_247 = tpu.memref_slice %arg9[%dma_start3A_245, %dma_start3A_246] : memref<10240x16xf32, #tpu.memory_space<vmem_shared>> -> memref<10240x16xf32, #tpu.memory_space<vmem_shared>>
      tpu.enqueue_indirect_dma source(%dma_start3A_241 : memref<128x16xf32, #tpu.memory_space<vmem>>) target(%dma_start3A_247 : memref<10240x16xf32, #tpu.memory_space<vmem_shared>>) offsets(%dma_start3A_244 : memref<128xi32, #tpu.memory_space<vmem>>) semaphore(%arg10 : memref<!tpu.dma_semaphore, #tpu.memory_space<semaphore_mem>>) {add = true}
      %mul3A_248 = arith.constant 8 : i32
      %mul3A_249 = arith.muli %add3A_218, %mul3A_248 : i32
      %add3A_250 = arith.constant 2 : i32
      %add3A_251 = arith.addi %mul3A_249, %add3A_250 : i32
      %dma_start3A_252 = arith.constant 0 : i32
      %dma_start3A_253 = arith.constant 256 : i32
      %dma_start3A_254 = arith.constant 0 : i32
      %dma_start3A_255 = tpu.memref_slice %arg8[%dma_start3A_252, %dma_start3A_253, %dma_start3A_254] : memref<2x1024x16xf32, #tpu.memory_space<vmem>> -> memref<1x128x16xf32, #tpu.memory_space<vmem>>
      %dma_start3A_256 = tpu.memref_squeeze %dma_start3A_255 : memref<1x128x16xf32, #tpu.memory_space<vmem>> -> memref<128x16xf32, #tpu.memory_space<vmem>>
      %dma_start3A_257 = arith.constant 0 : i32
      %dma_start3A_258 = tpu.memref_slice %arg7[%add3A_251, %dma_start3A_257] : memref<80x128xi32, #tpu.memory_space<vmem>> -> memref<1x128xi32, #tpu.memory_space<vmem>>
      %dma_start3A_259 = tpu.memref_squeeze %dma_start3A_258 : memref<1x128xi32, #tpu.memory_space<vmem>> -> memref<128xi32, #tpu.memory_space<vmem>>
      %dma_start3A_260 = arith.constant 0 : i32
      %dma_start3A_261 = arith.constant 0 : i32
      %dma_start3A_262 = tpu.memref_slice %arg9[%dma_start3A_260, %dma_start3A_261] : memref<10240x16xf32, #tpu.memory_space<vmem_shared>> -> memref<10240x16xf32, #tpu.memory_space<vmem_shared>>
      tpu.enqueue_indirect_dma source(%dma_start3A_256 : memref<128x16xf32, #tpu.memory_space<vmem>>) target(%dma_start3A_262 : memref<10240x16xf32, #tpu.memory_space<vmem_shared>>) offsets(%dma_start3A_259 : memref<128xi32, #tpu.memory_space<vmem>>) semaphore(%arg10 : memref<!tpu.dma_semaphore, #tpu.memory_space<semaphore_mem>>) {add = true}
      %mul3A_263 = arith.constant 8 : i32
      %mul3A_264 = arith.muli %add3A_218, %mul3A_263 : i32
      %add3A_265 = arith.constant 3 : i32
      %add3A_266 = arith.addi %mul3A_264, %add3A_265 : i32
      %dma_start3A_267 = arith.constant 0 : i32
      %dma_start3A_268 = arith.constant 384 : i32
      %dma_start3A_269 = arith.constant 0 : i32
      %dma_start3A_270 = tpu.memref_slice %arg8[%dma_start3A_267, %dma_start3A_268, %dma_start3A_269] : memref<2x1024x16xf32, #tpu.memory_space<vmem>> -> memref<1x128x16xf32, #tpu.memory_space<vmem>>
      %dma_start3A_271 = tpu.memref_squeeze %dma_start3A_270 : memref<1x128x16xf32, #tpu.memory_space<vmem>> -> memref<128x16xf32, #tpu.memory_space<vmem>>
      %dma_start3A_272 = arith.constant 0 : i32
      %dma_start3A_273 = tpu.memref_slice %arg7[%add3A_266, %dma_start3A_272] : memref<80x128xi32, #tpu.memory_space<vmem>> -> memref<1x128xi32, #tpu.memory_space<vmem>>
      %dma_start3A_274 = tpu.memref_squeeze %dma_start3A_273 : memref<1x128xi32, #tpu.memory_space<vmem>> -> memref<128xi32, #tpu.memory_space<vmem>>
      %dma_start3A_275 = arith.constant 0 : i32
      %dma_start3A_276 = arith.constant 0 : i32
      %dma_start3A_277 = tpu.memref_slice %arg9[%dma_start3A_275, %dma_start3A_276] : memref<10240x16xf32, #tpu.memory_space<vmem_shared>> -> memref<10240x16xf32, #tpu.memory_space<vmem_shared>>
      tpu.enqueue_indirect_dma source(%dma_start3A_271 : memref<128x16xf32, #tpu.memory_space<vmem>>) target(%dma_start3A_277 : memref<10240x16xf32, #tpu.memory_space<vmem_shared>>) offsets(%dma_start3A_274 : memref<128xi32, #tpu.memory_space<vmem>>) semaphore(%arg10 : memref<!tpu.dma_semaphore, #tpu.memory_space<semaphore_mem>>) {add = true}
      %mul3A_278 = arith.constant 8 : i32
      %mul3A_279 = arith.muli %add3A_218, %mul3A_278 : i32
      %add3A_280 = arith.constant 4 : i32
      %add3A_281 = arith.addi %mul3A_279, %add3A_280 : i32
      %dma_start3A_282 = arith.constant 0 : i32
      %dma_start3A_283 = arith.constant 512 : i32
      %dma_start3A_284 = arith.constant 0 : i32
      %dma_start3A_285 = tpu.memref_slice %arg8[%dma_start3A_282, %dma_start3A_283, %dma_start3A_284] : memref<2x1024x16xf32, #tpu.memory_space<vmem>> -> memref<1x128x16xf32, #tpu.memory_space<vmem>>
      %dma_start3A_286 = tpu.memref_squeeze %dma_start3A_285 : memref<1x128x16xf32, #tpu.memory_space<vmem>> -> memref<128x16xf32, #tpu.memory_space<vmem>>
      %dma_start3A_287 = arith.constant 0 : i32
      %dma_start3A_288 = tpu.memref_slice %arg7[%add3A_281, %dma_start3A_287] : memref<80x128xi32, #tpu.memory_space<vmem>> -> memref<1x128xi32, #tpu.memory_space<vmem>>
      %dma_start3A_289 = tpu.memref_squeeze %dma_start3A_288 : memref<1x128xi32, #tpu.memory_space<vmem>> -> memref<128xi32, #tpu.memory_space<vmem>>
      %dma_start3A_290 = arith.constant 0 : i32
      %dma_start3A_291 = arith.constant 0 : i32
      %dma_start3A_292 = tpu.memref_slice %arg9[%dma_start3A_290, %dma_start3A_291] : memref<10240x16xf32, #tpu.memory_space<vmem_shared>> -> memref<10240x16xf32, #tpu.memory_space<vmem_shared>>
      tpu.enqueue_indirect_dma source(%dma_start3A_286 : memref<128x16xf32, #tpu.memory_space<vmem>>) target(%dma_start3A_292 : memref<10240x16xf32, #tpu.memory_space<vmem_shared>>) offsets(%dma_start3A_289 : memref<128xi32, #tpu.memory_space<vmem>>) semaphore(%arg10 : memref<!tpu.dma_semaphore, #tpu.memory_space<semaphore_mem>>) {add = true}
      %mul3A_293 = arith.constant 8 : i32
      %mul3A_294 = arith.muli %add3A_218, %mul3A_293 : i32
      %add3A_295 = arith.constant 5 : i32
      %add3A_296 = arith.addi %mul3A_294, %add3A_295 : i32
      %dma_start3A_297 = arith.constant 0 : i32
      %dma_start3A_298 = arith.constant 640 : i32
      %dma_start3A_299 = arith.constant 0 : i32
      %dma_start3A_300 = tpu.memref_slice %arg8[%dma_start3A_297, %dma_start3A_298, %dma_start3A_299] : memref<2x1024x16xf32, #tpu.memory_space<vmem>> -> memref<1x128x16xf32, #tpu.memory_space<vmem>>
      %dma_start3A_301 = tpu.memref_squeeze %dma_start3A_300 : memref<1x128x16xf32, #tpu.memory_space<vmem>> -> memref<128x16xf32, #tpu.memory_space<vmem>>
      %dma_start3A_302 = arith.constant 0 : i32
      %dma_start3A_303 = tpu.memref_slice %arg7[%add3A_296, %dma_start3A_302] : memref<80x128xi32, #tpu.memory_space<vmem>> -> memref<1x128xi32, #tpu.memory_space<vmem>>
      %dma_start3A_304 = tpu.memref_squeeze %dma_start3A_303 : memref<1x128xi32, #tpu.memory_space<vmem>> -> memref<128xi32, #tpu.memory_space<vmem>>
      %dma_start3A_305 = arith.constant 0 : i32
      %dma_start3A_306 = arith.constant 0 : i32
      %dma_start3A_307 = tpu.memref_slice %arg9[%dma_start3A_305, %dma_start3A_306] : memref<10240x16xf32, #tpu.memory_space<vmem_shared>> -> memref<10240x16xf32, #tpu.memory_space<vmem_shared>>
      tpu.enqueue_indirect_dma source(%dma_start3A_301 : memref<128x16xf32, #tpu.memory_space<vmem>>) target(%dma_start3A_307 : memref<10240x16xf32, #tpu.memory_space<vmem_shared>>) offsets(%dma_start3A_304 : memref<128xi32, #tpu.memory_space<vmem>>) semaphore(%arg10 : memref<!tpu.dma_semaphore, #tpu.memory_space<semaphore_mem>>) {add = true}
      %mul3A_308 = arith.constant 8 : i32
      %mul3A_309 = arith.muli %add3A_218, %mul3A_308 : i32
      %add3A_310 = arith.constant 6 : i32
      %add3A_311 = arith.addi %mul3A_309, %add3A_310 : i32
      %dma_start3A_312 = arith.constant 0 : i32
      %dma_start3A_313 = arith.constant 768 : i32
      %dma_start3A_314 = arith.constant 0 : i32
      %dma_start3A_315 = tpu.memref_slice %arg8[%dma_start3A_312, %dma_start3A_313, %dma_start3A_314] : memref<2x1024x16xf32, #tpu.memory_space<vmem>> -> memref<1x128x16xf32, #tpu.memory_space<vmem>>
      %dma_start3A_316 = tpu.memref_squeeze %dma_start3A_315 : memref<1x128x16xf32, #tpu.memory_space<vmem>> -> memref<128x16xf32, #tpu.memory_space<vmem>>
      %dma_start3A_317 = arith.constant 0 : i32
      %dma_start3A_318 = tpu.memref_slice %arg7[%add3A_311, %dma_start3A_317] : memref<80x128xi32, #tpu.memory_space<vmem>> -> memref<1x128xi32, #tpu.memory_space<vmem>>
      %dma_start3A_319 = tpu.memref_squeeze %dma_start3A_318 : memref<1x128xi32, #tpu.memory_space<vmem>> -> memref<128xi32, #tpu.memory_space<vmem>>
      %dma_start3A_320 = arith.constant 0 : i32
      %dma_start3A_321 = arith.constant 0 : i32
      %dma_start3A_322 = tpu.memref_slice %arg9[%dma_start3A_320, %dma_start3A_321] : memref<10240x16xf32, #tpu.memory_space<vmem_shared>> -> memref<10240x16xf32, #tpu.memory_space<vmem_shared>>
      tpu.enqueue_indirect_dma source(%dma_start3A_316 : memref<128x16xf32, #tpu.memory_space<vmem>>) target(%dma_start3A_322 : memref<10240x16xf32, #tpu.memory_space<vmem_shared>>) offsets(%dma_start3A_319 : memref<128xi32, #tpu.memory_space<vmem>>) semaphore(%arg10 : memref<!tpu.dma_semaphore, #tpu.memory_space<semaphore_mem>>) {add = true}
      %mul3A_323 = arith.constant 8 : i32
      %mul3A_324 = arith.muli %add3A_218, %mul3A_323 : i32
      %add3A_325 = arith.constant 7 : i32
      %add3A_326 = arith.addi %mul3A_324, %add3A_325 : i32
      %dma_start3A_327 = arith.constant 0 : i32
      %dma_start3A_328 = arith.constant 896 : i32
      %dma_start3A_329 = arith.constant 0 : i32
      %dma_start3A_330 = tpu.memref_slice %arg8[%dma_start3A_327, %dma_start3A_328, %dma_start3A_329] : memref<2x1024x16xf32, #tpu.memory_space<vmem>> -> memref<1x128x16xf32, #tpu.memory_space<vmem>>
      %dma_start3A_331 = tpu.memref_squeeze %dma_start3A_330 : memref<1x128x16xf32, #tpu.memory_space<vmem>> -> memref<128x16xf32, #tpu.memory_space<vmem>>
      %dma_start3A_332 = arith.constant 0 : i32
      %dma_start3A_333 = tpu.memref_slice %arg7[%add3A_326, %dma_start3A_332] : memref<80x128xi32, #tpu.memory_space<vmem>> -> memref<1x128xi32, #tpu.memory_space<vmem>>
      %dma_start3A_334 = tpu.memref_squeeze %dma_start3A_333 : memref<1x128xi32, #tpu.memory_space<vmem>> -> memref<128xi32, #tpu.memory_space<vmem>>
      %dma_start3A_335 = arith.constant 0 : i32
      %dma_start3A_336 = arith.constant 0 : i32
      %dma_start3A_337 = tpu.memref_slice %arg9[%dma_start3A_335, %dma_start3A_336] : memref<10240x16xf32, #tpu.memory_space<vmem_shared>> -> memref<10240x16xf32, #tpu.memory_space<vmem_shared>>
      tpu.enqueue_indirect_dma source(%dma_start3A_331 : memref<128x16xf32, #tpu.memory_space<vmem>>) target(%dma_start3A_337 : memref<10240x16xf32, #tpu.memory_space<vmem_shared>>) offsets(%dma_start3A_334 : memref<128xi32, #tpu.memory_space<vmem>>) semaphore(%arg10 : memref<!tpu.dma_semaphore, #tpu.memory_space<semaphore_mem>>) {add = true}
      %ge3A_338 = arith.constant 1 : i32
      %ge3A_339 = arith.cmpi sge, %scan3A_207, %ge3A_338 : i32
      %convert_element_type3A_340 = arith.extui %ge3A_339 : i1 to i32
      %cond3A_341 = arith.constant 0 : i32
      %cond3A_342 = arith.cmpi ne, %convert_element_type3A_340, %cond3A_341 : i32
      scf.if %cond3A_342 {
        %dma_wait3A_471 = arith.constant 1 : i32
        %dma_wait3A_472 = arith.constant 0 : i32
        %dma_wait3A_473 = arith.constant 0 : i32
        %dma_wait3A_474 = arith.constant 0 : i32
        %dma_wait3A_475 = tpu.memref_slice %arg8[%dma_wait3A_471, %dma_wait3A_473, %dma_wait3A_474] : memref<2x1024x16xf32, #tpu.memory_space<vmem>> -> memref<1x128x16xf32, #tpu.memory_space<vmem>>
        %dma_wait3A_476 = tpu.memref_squeeze %dma_wait3A_475 : memref<1x128x16xf32, #tpu.memory_space<vmem>> -> memref<128x16xf32, #tpu.memory_space<vmem>>
        %dma_wait3A_477 = arith.constant 0 : i32
        %dma_wait3A_478 = tpu.memref_slice %arg7[%dma_wait3A_472, %dma_wait3A_477] : memref<80x128xi32, #tpu.memory_space<vmem>> -> memref<1x128xi32, #tpu.memory_space<vmem>>
        %dma_wait3A_479 = tpu.memref_squeeze %dma_wait3A_478 : memref<1x128xi32, #tpu.memory_space<vmem>> -> memref<128xi32, #tpu.memory_space<vmem>>
        %dma_wait3A_480 = arith.constant 0 : i32
        %dma_wait3A_481 = arith.constant 0 : i32
        %dma_wait3A_482 = tpu.memref_slice %arg9[%dma_wait3A_480, %dma_wait3A_481] : memref<10240x16xf32, #tpu.memory_space<vmem_shared>> -> memref<10240x16xf32, #tpu.memory_space<vmem_shared>>
        tpu.wait_indirect_dma semaphore(%arg11 : memref<!tpu.dma_semaphore, #tpu.memory_space<semaphore_mem>>) src(%dma_wait3A_476 : memref<128x16xf32, #tpu.memory_space<vmem>>) dst(%dma_wait3A_482 : memref<10240x16xf32, #tpu.memory_space<vmem_shared>>)
        %dma_wait3A_483 = arith.constant 1 : i32
        %dma_wait3A_484 = arith.constant 1 : i32
        %dma_wait3A_485 = arith.constant 128 : i32
        %dma_wait3A_486 = arith.constant 0 : i32
        %dma_wait3A_487 = tpu.memref_slice %arg8[%dma_wait3A_483, %dma_wait3A_485, %dma_wait3A_486] : memref<2x1024x16xf32, #tpu.memory_space<vmem>> -> memref<1x128x16xf32, #tpu.memory_space<vmem>>
        %dma_wait3A_488 = tpu.memref_squeeze %dma_wait3A_487 : memref<1x128x16xf32, #tpu.memory_space<vmem>> -> memref<128x16xf32, #tpu.memory_space<vmem>>
        %dma_wait3A_489 = arith.constant 0 : i32
        %dma_wait3A_490 = tpu.memref_slice %arg7[%dma_wait3A_484, %dma_wait3A_489] : memref<80x128xi32, #tpu.memory_space<vmem>> -> memref<1x128xi32, #tpu.memory_space<vmem>>
        %dma_wait3A_491 = tpu.memref_squeeze %dma_wait3A_490 : memref<1x128xi32, #tpu.memory_space<vmem>> -> memref<128xi32, #tpu.memory_space<vmem>>
        %dma_wait3A_492 = arith.constant 0 : i32
        %dma_wait3A_493 = arith.constant 0 : i32
        %dma_wait3A_494 = tpu.memref_slice %arg9[%dma_wait3A_492, %dma_wait3A_493] : memref<10240x16xf32, #tpu.memory_space<vmem_shared>> -> memref<10240x16xf32, #tpu.memory_space<vmem_shared>>
        tpu.wait_indirect_dma semaphore(%arg11 : memref<!tpu.dma_semaphore, #tpu.memory_space<semaphore_mem>>) src(%dma_wait3A_488 : memref<128x16xf32, #tpu.memory_space<vmem>>) dst(%dma_wait3A_494 : memref<10240x16xf32, #tpu.memory_space<vmem_shared>>)
        %dma_wait3A_495 = arith.constant 1 : i32
        %dma_wait3A_496 = arith.constant 2 : i32
        %dma_wait3A_497 = arith.constant 256 : i32
        %dma_wait3A_498 = arith.constant 0 : i32
        %dma_wait3A_499 = tpu.memref_slice %arg8[%dma_wait3A_495, %dma_wait3A_497, %dma_wait3A_498] : memref<2x1024x16xf32, #tpu.memory_space<vmem>> -> memref<1x128x16xf32, #tpu.memory_space<vmem>>
        %dma_wait3A_500 = tpu.memref_squeeze %dma_wait3A_499 : memref<1x128x16xf32, #tpu.memory_space<vmem>> -> memref<128x16xf32, #tpu.memory_space<vmem>>
        %dma_wait3A_501 = arith.constant 0 : i32
        %dma_wait3A_502 = tpu.memref_slice %arg7[%dma_wait3A_496, %dma_wait3A_501] : memref<80x128xi32, #tpu.memory_space<vmem>> -> memref<1x128xi32, #tpu.memory_space<vmem>>
        %dma_wait3A_503 = tpu.memref_squeeze %dma_wait3A_502 : memref<1x128xi32, #tpu.memory_space<vmem>> -> memref<128xi32, #tpu.memory_space<vmem>>
        %dma_wait3A_504 = arith.constant 0 : i32
        %dma_wait3A_505 = arith.constant 0 : i32
        %dma_wait3A_506 = tpu.memref_slice %arg9[%dma_wait3A_504, %dma_wait3A_505] : memref<10240x16xf32, #tpu.memory_space<vmem_shared>> -> memref<10240x16xf32, #tpu.memory_space<vmem_shared>>
        tpu.wait_indirect_dma semaphore(%arg11 : memref<!tpu.dma_semaphore, #tpu.memory_space<semaphore_mem>>) src(%dma_wait3A_500 : memref<128x16xf32, #tpu.memory_space<vmem>>) dst(%dma_wait3A_506 : memref<10240x16xf32, #tpu.memory_space<vmem_shared>>)
        %dma_wait3A_507 = arith.constant 1 : i32
        %dma_wait3A_508 = arith.constant 3 : i32
        %dma_wait3A_509 = arith.constant 384 : i32
        %dma_wait3A_510 = arith.constant 0 : i32
        %dma_wait3A_511 = tpu.memref_slice %arg8[%dma_wait3A_507, %dma_wait3A_509, %dma_wait3A_510] : memref<2x1024x16xf32, #tpu.memory_space<vmem>> -> memref<1x128x16xf32, #tpu.memory_space<vmem>>
        %dma_wait3A_512 = tpu.memref_squeeze %dma_wait3A_511 : memref<1x128x16xf32, #tpu.memory_space<vmem>> -> memref<128x16xf32, #tpu.memory_space<vmem>>
        %dma_wait3A_513 = arith.constant 0 : i32
        %dma_wait3A_514 = tpu.memref_slice %arg7[%dma_wait3A_508, %dma_wait3A_513] : memref<80x128xi32, #tpu.memory_space<vmem>> -> memref<1x128xi32, #tpu.memory_space<vmem>>
        %dma_wait3A_515 = tpu.memref_squeeze %dma_wait3A_514 : memref<1x128xi32, #tpu.memory_space<vmem>> -> memref<128xi32, #tpu.memory_space<vmem>>
        %dma_wait3A_516 = arith.constant 0 : i32
        %dma_wait3A_517 = arith.constant 0 : i32
        %dma_wait3A_518 = tpu.memref_slice %arg9[%dma_wait3A_516, %dma_wait3A_517] : memref<10240x16xf32, #tpu.memory_space<vmem_shared>> -> memref<10240x16xf32, #tpu.memory_space<vmem_shared>>
        tpu.wait_indirect_dma semaphore(%arg11 : memref<!tpu.dma_semaphore, #tpu.memory_space<semaphore_mem>>) src(%dma_wait3A_512 : memref<128x16xf32, #tpu.memory_space<vmem>>) dst(%dma_wait3A_518 : memref<10240x16xf32, #tpu.memory_space<vmem_shared>>)
        %dma_wait3A_519 = arith.constant 1 : i32
        %dma_wait3A_520 = arith.constant 4 : i32
        %dma_wait3A_521 = arith.constant 512 : i32
        %dma_wait3A_522 = arith.constant 0 : i32
        %dma_wait3A_523 = tpu.memref_slice %arg8[%dma_wait3A_519, %dma_wait3A_521, %dma_wait3A_522] : memref<2x1024x16xf32, #tpu.memory_space<vmem>> -> memref<1x128x16xf32, #tpu.memory_space<vmem>>
        %dma_wait3A_524 = tpu.memref_squeeze %dma_wait3A_523 : memref<1x128x16xf32, #tpu.memory_space<vmem>> -> memref<128x16xf32, #tpu.memory_space<vmem>>
        %dma_wait3A_525 = arith.constant 0 : i32
        %dma_wait3A_526 = tpu.memref_slice %arg7[%dma_wait3A_520, %dma_wait3A_525] : memref<80x128xi32, #tpu.memory_space<vmem>> -> memref<1x128xi32, #tpu.memory_space<vmem>>
        %dma_wait3A_527 = tpu.memref_squeeze %dma_wait3A_526 : memref<1x128xi32, #tpu.memory_space<vmem>> -> memref<128xi32, #tpu.memory_space<vmem>>
        %dma_wait3A_528 = arith.constant 0 : i32
        %dma_wait3A_529 = arith.constant 0 : i32
        %dma_wait3A_530 = tpu.memref_slice %arg9[%dma_wait3A_528, %dma_wait3A_529] : memref<10240x16xf32, #tpu.memory_space<vmem_shared>> -> memref<10240x16xf32, #tpu.memory_space<vmem_shared>>
        tpu.wait_indirect_dma semaphore(%arg11 : memref<!tpu.dma_semaphore, #tpu.memory_space<semaphore_mem>>) src(%dma_wait3A_524 : memref<128x16xf32, #tpu.memory_space<vmem>>) dst(%dma_wait3A_530 : memref<10240x16xf32, #tpu.memory_space<vmem_shared>>)
        %dma_wait3A_531 = arith.constant 1 : i32
        %dma_wait3A_532 = arith.constant 5 : i32
        %dma_wait3A_533 = arith.constant 640 : i32
        %dma_wait3A_534 = arith.constant 0 : i32
        %dma_wait3A_535 = tpu.memref_slice %arg8[%dma_wait3A_531, %dma_wait3A_533, %dma_wait3A_534] : memref<2x1024x16xf32, #tpu.memory_space<vmem>> -> memref<1x128x16xf32, #tpu.memory_space<vmem>>
        %dma_wait3A_536 = tpu.memref_squeeze %dma_wait3A_535 : memref<1x128x16xf32, #tpu.memory_space<vmem>> -> memref<128x16xf32, #tpu.memory_space<vmem>>
        %dma_wait3A_537 = arith.constant 0 : i32
        %dma_wait3A_538 = tpu.memref_slice %arg7[%dma_wait3A_532, %dma_wait3A_537] : memref<80x128xi32, #tpu.memory_space<vmem>> -> memref<1x128xi32, #tpu.memory_space<vmem>>
        %dma_wait3A_539 = tpu.memref_squeeze %dma_wait3A_538 : memref<1x128xi32, #tpu.memory_space<vmem>> -> memref<128xi32, #tpu.memory_space<vmem>>
        %dma_wait3A_540 = arith.constant 0 : i32
        %dma_wait3A_541 = arith.constant 0 : i32
        %dma_wait3A_542 = tpu.memref_slice %arg9[%dma_wait3A_540, %dma_wait3A_541] : memref<10240x16xf32, #tpu.memory_space<vmem_shared>> -> memref<10240x16xf32, #tpu.memory_space<vmem_shared>>
        tpu.wait_indirect_dma semaphore(%arg11 : memref<!tpu.dma_semaphore, #tpu.memory_space<semaphore_mem>>) src(%dma_wait3A_536 : memref<128x16xf32, #tpu.memory_space<vmem>>) dst(%dma_wait3A_542 : memref<10240x16xf32, #tpu.memory_space<vmem_shared>>)
        %dma_wait3A_543 = arith.constant 1 : i32
        %dma_wait3A_544 = arith.constant 6 : i32
        %dma_wait3A_545 = arith.constant 768 : i32
        %dma_wait3A_546 = arith.constant 0 : i32
        %dma_wait3A_547 = tpu.memref_slice %arg8[%dma_wait3A_543, %dma_wait3A_545, %dma_wait3A_546] : memref<2x1024x16xf32, #tpu.memory_space<vmem>> -> memref<1x128x16xf32, #tpu.memory_space<vmem>>
        %dma_wait3A_548 = tpu.memref_squeeze %dma_wait3A_547 : memref<1x128x16xf32, #tpu.memory_space<vmem>> -> memref<128x16xf32, #tpu.memory_space<vmem>>
        %dma_wait3A_549 = arith.constant 0 : i32
        %dma_wait3A_550 = tpu.memref_slice %arg7[%dma_wait3A_544, %dma_wait3A_549] : memref<80x128xi32, #tpu.memory_space<vmem>> -> memref<1x128xi32, #tpu.memory_space<vmem>>
        %dma_wait3A_551 = tpu.memref_squeeze %dma_wait3A_550 : memref<1x128xi32, #tpu.memory_space<vmem>> -> memref<128xi32, #tpu.memory_space<vmem>>
        %dma_wait3A_552 = arith.constant 0 : i32
        %dma_wait3A_553 = arith.constant 0 : i32
        %dma_wait3A_554 = tpu.memref_slice %arg9[%dma_wait3A_552, %dma_wait3A_553] : memref<10240x16xf32, #tpu.memory_space<vmem_shared>> -> memref<10240x16xf32, #tpu.memory_space<vmem_shared>>
        tpu.wait_indirect_dma semaphore(%arg11 : memref<!tpu.dma_semaphore, #tpu.memory_space<semaphore_mem>>) src(%dma_wait3A_548 : memref<128x16xf32, #tpu.memory_space<vmem>>) dst(%dma_wait3A_554 : memref<10240x16xf32, #tpu.memory_space<vmem_shared>>)
        %dma_wait3A_555 = arith.constant 1 : i32
        %dma_wait3A_556 = arith.constant 7 : i32
        %dma_wait3A_557 = arith.constant 896 : i32
        %dma_wait3A_558 = arith.constant 0 : i32
        %dma_wait3A_559 = tpu.memref_slice %arg8[%dma_wait3A_555, %dma_wait3A_557, %dma_wait3A_558] : memref<2x1024x16xf32, #tpu.memory_space<vmem>> -> memref<1x128x16xf32, #tpu.memory_space<vmem>>
        %dma_wait3A_560 = tpu.memref_squeeze %dma_wait3A_559 : memref<1x128x16xf32, #tpu.memory_space<vmem>> -> memref<128x16xf32, #tpu.memory_space<vmem>>
        %dma_wait3A_561 = arith.constant 0 : i32
        %dma_wait3A_562 = tpu.memref_slice %arg7[%dma_wait3A_556, %dma_wait3A_561] : memref<80x128xi32, #tpu.memory_space<vmem>> -> memref<1x128xi32, #tpu.memory_space<vmem>>
        %dma_wait3A_563 = tpu.memref_squeeze %dma_wait3A_562 : memref<1x128xi32, #tpu.memory_space<vmem>> -> memref<128xi32, #tpu.memory_space<vmem>>
        %dma_wait3A_564 = arith.constant 0 : i32
        %dma_wait3A_565 = arith.constant 0 : i32
        %dma_wait3A_566 = tpu.memref_slice %arg9[%dma_wait3A_564, %dma_wait3A_565] : memref<10240x16xf32, #tpu.memory_space<vmem_shared>> -> memref<10240x16xf32, #tpu.memory_space<vmem_shared>>
        tpu.wait_indirect_dma semaphore(%arg11 : memref<!tpu.dma_semaphore, #tpu.memory_space<semaphore_mem>>) src(%dma_wait3A_560 : memref<128x16xf32, #tpu.memory_space<vmem>>) dst(%dma_wait3A_566 : memref<10240x16xf32, #tpu.memory_space<vmem_shared>>)
      } else {
      }
      %add3A_343 = arith.constant 1 : i32
      %add3A_344 = arith.addi %mul3A_210, %add3A_343 : i32
      %parallel_loop3A_345 = arith.constant 0 : i32
      %parallel_loop3A_346 = arith.constant 64 : i32
      %parallel_loop3A_347 = arith.constant 1 : i32
      scf.for %parallel_loop3A_471 = %parallel_loop3A_345 to %parallel_loop3A_346 step %parallel_loop3A_347  : i32 {
        %parallel_loop3A_472 = arith.constant 1024 : i32
        %parallel_loop3A_473 = arith.muli %add3A_344, %parallel_loop3A_472 : i32
        %parallel_loop3A_474 = arith.constant 16 : i32
        %parallel_loop3A_475 = arith.muli %parallel_loop3A_471, %parallel_loop3A_474 : i32
        %parallel_loop3A_476 = arith.addi %parallel_loop3A_473, %parallel_loop3A_475 : i32
        %parallel_loop3A_477 = arith.index_cast %parallel_loop3A_476 : i32 to index
        %parallel_loop3A_478 = tpu.vector_load %arg6[%parallel_loop3A_477] {strides = array<i32>} : memref<10240xf32, #tpu.memory_space<vmem>>, vector<16xf32>,
        %parallel_loop3A_479 = vector.shape_cast %parallel_loop3A_478 : vector<16xf32> to vector<16xf32>
        %parallel_loop3A_480 = arith.constant 16 : i32
        %parallel_loop3A_481 = arith.muli %parallel_loop3A_471, %parallel_loop3A_480 : i32
        %parallel_loop3A_482 = arith.constant 0 : i32
        %parallel_loop3A_483 = arith.addi %parallel_loop3A_481, %parallel_loop3A_482 : i32
        %parallel_loop3A_484 = arith.constant 0 : i32
        %parallel_loop3A_485 = vector.broadcast %parallel_loop3A_484 : i32 to vector<16x1xi32>
        %parallel_loop3A_486 = vector.shape_cast %parallel_loop3A_485 : vector<16x1xi32> to vector<16xi32>
        %parallel_loop3A_487 = tpu.dynamic_gather %parallel_loop3A_479[%parallel_loop3A_486] in [0] : vector<16xf32>, vector<16xi32> -> vector<16xf32>
        %parallel_loop3A_488 = arith.constant 0.000000e+00 : f32
        %parallel_loop3A_489 = vector.broadcast %parallel_loop3A_488 : f32 to vector<16xf32>
        %parallel_loop3A_490 = arith.select %eq3A_4, %parallel_loop3A_487, %parallel_loop3A_489 : vector<16xi1>, vector<16xf32>
        %parallel_loop3A_491 = arith.constant 1 : i32
        %parallel_loop3A_492 = arith.index_cast %parallel_loop3A_491 : i32 to index
        %parallel_loop3A_493 = arith.index_cast %parallel_loop3A_483 : i32 to index
        %parallel_loop3A_494 = arith.constant 0 : index
        %parallel_loop3A_495 = tpu.vector_load %arg8[%parallel_loop3A_492, %parallel_loop3A_493, %parallel_loop3A_494] {strides = array<i32>} : memref<2x1024x16xf32, #tpu.memory_space<vmem>>, vector<1x1x16xf32>,
        %parallel_loop3A_496 = vector.shape_cast %parallel_loop3A_495 : vector<1x1x16xf32> to vector<16xf32>
        %parallel_loop3A_497 = vector.shape_cast %parallel_loop3A_490 : vector<16xf32> to vector<1x1x16xf32>
        tpu.vector_store %arg8[%parallel_loop3A_492, %parallel_loop3A_493, %parallel_loop3A_494], %parallel_loop3A_497 {strides = array<i32>} : memref<2x1024x16xf32, #tpu.memory_space<vmem>>, vector<1x1x16xf32>,
        %parallel_loop3A_498 = arith.constant 16 : i32
        %parallel_loop3A_499 = arith.muli %parallel_loop3A_471, %parallel_loop3A_498 : i32
        %parallel_loop3A_500 = arith.constant 1 : i32
        %parallel_loop3A_501 = arith.addi %parallel_loop3A_499, %parallel_loop3A_500 : i32
        %parallel_loop3A_502 = arith.constant 1 : i32
        %parallel_loop3A_503 = vector.broadcast %parallel_loop3A_502 : i32 to vector<16x1xi32>
        %parallel_loop3A_504 = vector.shape_cast %parallel_loop3A_503 : vector<16x1xi32> to vector<16xi32>
        %parallel_loop3A_505 = tpu.dynamic_gather %parallel_loop3A_479[%parallel_loop3A_504] in [0] : vector<16xf32>, vector<16xi32> -> vector<16xf32>
        %parallel_loop3A_506 = arith.constant 0.000000e+00 : f32
        %parallel_loop3A_507 = vector.broadcast %parallel_loop3A_506 : f32 to vector<16xf32>
        %parallel_loop3A_508 = arith.select %eq3A_4, %parallel_loop3A_505, %parallel_loop3A_507 : vector<16xi1>, vector<16xf32>
        %parallel_loop3A_509 = arith.constant 1 : i32
        %parallel_loop3A_510 = arith.index_cast %parallel_loop3A_509 : i32 to index
        %parallel_loop3A_511 = arith.index_cast %parallel_loop3A_501 : i32 to index
        %parallel_loop3A_512 = arith.constant 0 : index
        %parallel_loop3A_513 = tpu.vector_load %arg8[%parallel_loop3A_510, %parallel_loop3A_511, %parallel_loop3A_512] {strides = array<i32>} : memref<2x1024x16xf32, #tpu.memory_space<vmem>>, vector<1x1x16xf32>,
        %parallel_loop3A_514 = vector.shape_cast %parallel_loop3A_513 : vector<1x1x16xf32> to vector<16xf32>
        %parallel_loop3A_515 = vector.shape_cast %parallel_loop3A_508 : vector<16xf32> to vector<1x1x16xf32>
        tpu.vector_store %arg8[%parallel_loop3A_510, %parallel_loop3A_511, %parallel_loop3A_512], %parallel_loop3A_515 {strides = array<i32>} : memref<2x1024x16xf32, #tpu.memory_space<vmem>>, vector<1x1x16xf32>,
        %parallel_loop3A_516 = arith.constant 16 : i32
        %parallel_loop3A_517 = arith.muli %parallel_loop3A_471, %parallel_loop3A_516 : i32
        %parallel_loop3A_518 = arith.constant 2 : i32
        %parallel_loop3A_519 = arith.addi %parallel_loop3A_517, %parallel_loop3A_518 : i32
        %parallel_loop3A_520 = arith.constant 2 : i32
        %parallel_loop3A_521 = vector.broadcast %parallel_loop3A_520 : i32 to vector<16x1xi32>
        %parallel_loop3A_522 = vector.shape_cast %parallel_loop3A_521 : vector<16x1xi32> to vector<16xi32>
        %parallel_loop3A_523 = tpu.dynamic_gather %parallel_loop3A_479[%parallel_loop3A_522] in [0] : vector<16xf32>, vector<16xi32> -> vector<16xf32>
        %parallel_loop3A_524 = arith.constant 0.000000e+00 : f32
        %parallel_loop3A_525 = vector.broadcast %parallel_loop3A_524 : f32 to vector<16xf32>
        %parallel_loop3A_526 = arith.select %eq3A_4, %parallel_loop3A_523, %parallel_loop3A_525 : vector<16xi1>, vector<16xf32>
        %parallel_loop3A_527 = arith.constant 1 : i32
        %parallel_loop3A_528 = arith.index_cast %parallel_loop3A_527 : i32 to index
        %parallel_loop3A_529 = arith.index_cast %parallel_loop3A_519 : i32 to index
        %parallel_loop3A_530 = arith.constant 0 : index
        %parallel_loop3A_531 = tpu.vector_load %arg8[%parallel_loop3A_528, %parallel_loop3A_529, %parallel_loop3A_530] {strides = array<i32>} : memref<2x1024x16xf32, #tpu.memory_space<vmem>>, vector<1x1x16xf32>,
        %parallel_loop3A_532 = vector.shape_cast %parallel_loop3A_531 : vector<1x1x16xf32> to vector<16xf32>
        %parallel_loop3A_533 = vector.shape_cast %parallel_loop3A_526 : vector<16xf32> to vector<1x1x16xf32>
        tpu.vector_store %arg8[%parallel_loop3A_528, %parallel_loop3A_529, %parallel_loop3A_530], %parallel_loop3A_533 {strides = array<i32>} : memref<2x1024x16xf32, #tpu.memory_space<vmem>>, vector<1x1x16xf32>,
        %parallel_loop3A_534 = arith.constant 16 : i32
        %parallel_loop3A_535 = arith.muli %parallel_loop3A_471, %parallel_loop3A_534 : i32
        %parallel_loop3A_536 = arith.constant 3 : i32
        %parallel_loop3A_537 = arith.addi %parallel_loop3A_535, %parallel_loop3A_536 : i32
        %parallel_loop3A_538 = arith.constant 3 : i32
        %parallel_loop3A_539 = vector.broadcast %parallel_loop3A_538 : i32 to vector<16x1xi32>
        %parallel_loop3A_540 = vector.shape_cast %parallel_loop3A_539 : vector<16x1xi32> to vector<16xi32>
        %parallel_loop3A_541 = tpu.dynamic_gather %parallel_loop3A_479[%parallel_loop3A_540] in [0] : vector<16xf32>, vector<16xi32> -> vector<16xf32>
        %parallel_loop3A_542 = arith.constant 0.000000e+00 : f32
        %parallel_loop3A_543 = vector.broadcast %parallel_loop3A_542 : f32 to vector<16xf32>
        %parallel_loop3A_544 = arith.select %eq3A_4, %parallel_loop3A_541, %parallel_loop3A_543 : vector<16xi1>, vector<16xf32>
        %parallel_loop3A_545 = arith.constant 1 : i32
        %parallel_loop3A_546 = arith.index_cast %parallel_loop3A_545 : i32 to index
        %parallel_loop3A_547 = arith.index_cast %parallel_loop3A_537 : i32 to index
        %parallel_loop3A_548 = arith.constant 0 : index
        %parallel_loop3A_549 = tpu.vector_load %arg8[%parallel_loop3A_546, %parallel_loop3A_547, %parallel_loop3A_548] {strides = array<i32>} : memref<2x1024x16xf32, #tpu.memory_space<vmem>>, vector<1x1x16xf32>,
        %parallel_loop3A_550 = vector.shape_cast %parallel_loop3A_549 : vector<1x1x16xf32> to vector<16xf32>
        %parallel_loop3A_551 = vector.shape_cast %parallel_loop3A_544 : vector<16xf32> to vector<1x1x16xf32>
        tpu.vector_store %arg8[%parallel_loop3A_546, %parallel_loop3A_547, %parallel_loop3A_548], %parallel_loop3A_551 {strides = array<i32>} : memref<2x1024x16xf32, #tpu.memory_space<vmem>>, vector<1x1x16xf32>,
        %parallel_loop3A_552 = arith.constant 16 : i32
        %parallel_loop3A_553 = arith.muli %parallel_loop3A_471, %parallel_loop3A_552 : i32
        %parallel_loop3A_554 = arith.constant 4 : i32
        %parallel_loop3A_555 = arith.addi %parallel_loop3A_553, %parallel_loop3A_554 : i32
        %parallel_loop3A_556 = arith.constant 4 : i32
        %parallel_loop3A_557 = vector.broadcast %parallel_loop3A_556 : i32 to vector<16x1xi32>
        %parallel_loop3A_558 = vector.shape_cast %parallel_loop3A_557 : vector<16x1xi32> to vector<16xi32>
        %parallel_loop3A_559 = tpu.dynamic_gather %parallel_loop3A_479[%parallel_loop3A_558] in [0] : vector<16xf32>, vector<16xi32> -> vector<16xf32>
        %parallel_loop3A_560 = arith.constant 0.000000e+00 : f32
        %parallel_loop3A_561 = vector.broadcast %parallel_loop3A_560 : f32 to vector<16xf32>
        %parallel_loop3A_562 = arith.select %eq3A_4, %parallel_loop3A_559, %parallel_loop3A_561 : vector<16xi1>, vector<16xf32>
        %parallel_loop3A_563 = arith.constant 1 : i32
        %parallel_loop3A_564 = arith.index_cast %parallel_loop3A_563 : i32 to index
        %parallel_loop3A_565 = arith.index_cast %parallel_loop3A_555 : i32 to index
        %parallel_loop3A_566 = arith.constant 0 : index
        %parallel_loop3A_567 = tpu.vector_load %arg8[%parallel_loop3A_564, %parallel_loop3A_565, %parallel_loop3A_566] {strides = array<i32>} : memref<2x1024x16xf32, #tpu.memory_space<vmem>>, vector<1x1x16xf32>,
        %parallel_loop3A_568 = vector.shape_cast %parallel_loop3A_567 : vector<1x1x16xf32> to vector<16xf32>
        %parallel_loop3A_569 = vector.shape_cast %parallel_loop3A_562 : vector<16xf32> to vector<1x1x16xf32>
        tpu.vector_store %arg8[%parallel_loop3A_564, %parallel_loop3A_565, %parallel_loop3A_566], %parallel_loop3A_569 {strides = array<i32>} : memref<2x1024x16xf32, #tpu.memory_space<vmem>>, vector<1x1x16xf32>,
        %parallel_loop3A_570 = arith.constant 16 : i32
        %parallel_loop3A_571 = arith.muli %parallel_loop3A_471, %parallel_loop3A_570 : i32
        %parallel_loop3A_572 = arith.constant 5 : i32
        %parallel_loop3A_573 = arith.addi %parallel_loop3A_571, %parallel_loop3A_572 : i32
        %parallel_loop3A_574 = arith.constant 5 : i32
        %parallel_loop3A_575 = vector.broadcast %parallel_loop3A_574 : i32 to vector<16x1xi32>
        %parallel_loop3A_576 = vector.shape_cast %parallel_loop3A_575 : vector<16x1xi32> to vector<16xi32>
        %parallel_loop3A_577 = tpu.dynamic_gather %parallel_loop3A_479[%parallel_loop3A_576] in [0] : vector<16xf32>, vector<16xi32> -> vector<16xf32>
        %parallel_loop3A_578 = arith.constant 0.000000e+00 : f32
        %parallel_loop3A_579 = vector.broadcast %parallel_loop3A_578 : f32 to vector<16xf32>
        %parallel_loop3A_580 = arith.select %eq3A_4, %parallel_loop3A_577, %parallel_loop3A_579 : vector<16xi1>, vector<16xf32>
        %parallel_loop3A_581 = arith.constant 1 : i32
        %parallel_loop3A_582 = arith.index_cast %parallel_loop3A_581 : i32 to index
        %parallel_loop3A_583 = arith.index_cast %parallel_loop3A_573 : i32 to index
        %parallel_loop3A_584 = arith.constant 0 : index
        %parallel_loop3A_585 = tpu.vector_load %arg8[%parallel_loop3A_582, %parallel_loop3A_583, %parallel_loop3A_584] {strides = array<i32>} : memref<2x1024x16xf32, #tpu.memory_space<vmem>>, vector<1x1x16xf32>,
        %parallel_loop3A_586 = vector.shape_cast %parallel_loop3A_585 : vector<1x1x16xf32> to vector<16xf32>
        %parallel_loop3A_587 = vector.shape_cast %parallel_loop3A_580 : vector<16xf32> to vector<1x1x16xf32>
        tpu.vector_store %arg8[%parallel_loop3A_582, %parallel_loop3A_583, %parallel_loop3A_584], %parallel_loop3A_587 {strides = array<i32>} : memref<2x1024x16xf32, #tpu.memory_space<vmem>>, vector<1x1x16xf32>,
        %parallel_loop3A_588 = arith.constant 16 : i32
        %parallel_loop3A_589 = arith.muli %parallel_loop3A_471, %parallel_loop3A_588 : i32
        %parallel_loop3A_590 = arith.constant 6 : i32
        %parallel_loop3A_591 = arith.addi %parallel_loop3A_589, %parallel_loop3A_590 : i32
        %parallel_loop3A_592 = arith.constant 6 : i32
        %parallel_loop3A_593 = vector.broadcast %parallel_loop3A_592 : i32 to vector<16x1xi32>
        %parallel_loop3A_594 = vector.shape_cast %parallel_loop3A_593 : vector<16x1xi32> to vector<16xi32>
        %parallel_loop3A_595 = tpu.dynamic_gather %parallel_loop3A_479[%parallel_loop3A_594] in [0] : vector<16xf32>, vector<16xi32> -> vector<16xf32>
        %parallel_loop3A_596 = arith.constant 0.000000e+00 : f32
        %parallel_loop3A_597 = vector.broadcast %parallel_loop3A_596 : f32 to vector<16xf32>
        %parallel_loop3A_598 = arith.select %eq3A_4, %parallel_loop3A_595, %parallel_loop3A_597 : vector<16xi1>, vector<16xf32>
        %parallel_loop3A_599 = arith.constant 1 : i32
        %parallel_loop3A_600 = arith.index_cast %parallel_loop3A_599 : i32 to index
        %parallel_loop3A_601 = arith.index_cast %parallel_loop3A_591 : i32 to index
        %parallel_loop3A_602 = arith.constant 0 : index
        %parallel_loop3A_603 = tpu.vector_load %arg8[%parallel_loop3A_600, %parallel_loop3A_601, %parallel_loop3A_602] {strides = array<i32>} : memref<2x1024x16xf32, #tpu.memory_space<vmem>>, vector<1x1x16xf32>,
        %parallel_loop3A_604 = vector.shape_cast %parallel_loop3A_603 : vector<1x1x16xf32> to vector<16xf32>
        %parallel_loop3A_605 = vector.shape_cast %parallel_loop3A_598 : vector<16xf32> to vector<1x1x16xf32>
        tpu.vector_store %arg8[%parallel_loop3A_600, %parallel_loop3A_601, %parallel_loop3A_602], %parallel_loop3A_605 {strides = array<i32>} : memref<2x1024x16xf32, #tpu.memory_space<vmem>>, vector<1x1x16xf32>,
        %parallel_loop3A_606 = arith.constant 16 : i32
        %parallel_loop3A_607 = arith.muli %parallel_loop3A_471, %parallel_loop3A_606 : i32
        %parallel_loop3A_608 = arith.constant 7 : i32
        %parallel_loop3A_609 = arith.addi %parallel_loop3A_607, %parallel_loop3A_608 : i32
        %parallel_loop3A_610 = arith.constant 7 : i32
        %parallel_loop3A_611 = vector.broadcast %parallel_loop3A_610 : i32 to vector<16x1xi32>
        %parallel_loop3A_612 = vector.shape_cast %parallel_loop3A_611 : vector<16x1xi32> to vector<16xi32>
        %parallel_loop3A_613 = tpu.dynamic_gather %parallel_loop3A_479[%parallel_loop3A_612] in [0] : vector<16xf32>, vector<16xi32> -> vector<16xf32>
        %parallel_loop3A_614 = arith.constant 0.000000e+00 : f32
        %parallel_loop3A_615 = vector.broadcast %parallel_loop3A_614 : f32 to vector<16xf32>
        %parallel_loop3A_616 = arith.select %eq3A_4, %parallel_loop3A_613, %parallel_loop3A_615 : vector<16xi1>, vector<16xf32>
        %parallel_loop3A_617 = arith.constant 1 : i32
        %parallel_loop3A_618 = arith.index_cast %parallel_loop3A_617 : i32 to index
        %parallel_loop3A_619 = arith.index_cast %parallel_loop3A_609 : i32 to index
        %parallel_loop3A_620 = arith.constant 0 : index
        %parallel_loop3A_621 = tpu.vector_load %arg8[%parallel_loop3A_618, %parallel_loop3A_619, %parallel_loop3A_620] {strides = array<i32>} : memref<2x1024x16xf32, #tpu.memory_space<vmem>>, vector<1x1x16xf32>,
        %parallel_loop3A_622 = vector.shape_cast %parallel_loop3A_621 : vector<1x1x16xf32> to vector<16xf32>
        %parallel_loop3A_623 = vector.shape_cast %parallel_loop3A_616 : vector<16xf32> to vector<1x1x16xf32>
        tpu.vector_store %arg8[%parallel_loop3A_618, %parallel_loop3A_619, %parallel_loop3A_620], %parallel_loop3A_623 {strides = array<i32>} : memref<2x1024x16xf32, #tpu.memory_space<vmem>>, vector<1x1x16xf32>,
        %parallel_loop3A_624 = arith.constant 16 : i32
        %parallel_loop3A_625 = arith.muli %parallel_loop3A_471, %parallel_loop3A_624 : i32
        %parallel_loop3A_626 = arith.constant 8 : i32
        %parallel_loop3A_627 = arith.addi %parallel_loop3A_625, %parallel_loop3A_626 : i32
        %parallel_loop3A_628 = arith.constant 8 : i32
        %parallel_loop3A_629 = vector.broadcast %parallel_loop3A_628 : i32 to vector<16x1xi32>
        %parallel_loop3A_630 = vector.shape_cast %parallel_loop3A_629 : vector<16x1xi32> to vector<16xi32>
        %parallel_loop3A_631 = tpu.dynamic_gather %parallel_loop3A_479[%parallel_loop3A_630] in [0] : vector<16xf32>, vector<16xi32> -> vector<16xf32>
        %parallel_loop3A_632 = arith.constant 0.000000e+00 : f32
        %parallel_loop3A_633 = vector.broadcast %parallel_loop3A_632 : f32 to vector<16xf32>
        %parallel_loop3A_634 = arith.select %eq3A_4, %parallel_loop3A_631, %parallel_loop3A_633 : vector<16xi1>, vector<16xf32>
        %parallel_loop3A_635 = arith.constant 1 : i32
        %parallel_loop3A_636 = arith.index_cast %parallel_loop3A_635 : i32 to index
        %parallel_loop3A_637 = arith.index_cast %parallel_loop3A_627 : i32 to index
        %parallel_loop3A_638 = arith.constant 0 : index
        %parallel_loop3A_639 = tpu.vector_load %arg8[%parallel_loop3A_636, %parallel_loop3A_637, %parallel_loop3A_638] {strides = array<i32>} : memref<2x1024x16xf32, #tpu.memory_space<vmem>>, vector<1x1x16xf32>,
        %parallel_loop3A_640 = vector.shape_cast %parallel_loop3A_639 : vector<1x1x16xf32> to vector<16xf32>
        %parallel_loop3A_641 = vector.shape_cast %parallel_loop3A_634 : vector<16xf32> to vector<1x1x16xf32>
        tpu.vector_store %arg8[%parallel_loop3A_636, %parallel_loop3A_637, %parallel_loop3A_638], %parallel_loop3A_641 {strides = array<i32>} : memref<2x1024x16xf32, #tpu.memory_space<vmem>>, vector<1x1x16xf32>,
        %parallel_loop3A_642 = arith.constant 16 : i32
        %parallel_loop3A_643 = arith.muli %parallel_loop3A_471, %parallel_loop3A_642 : i32
        %parallel_loop3A_644 = arith.constant 9 : i32
        %parallel_loop3A_645 = arith.addi %parallel_loop3A_643, %parallel_loop3A_644 : i32
        %parallel_loop3A_646 = arith.constant 9 : i32
        %parallel_loop3A_647 = vector.broadcast %parallel_loop3A_646 : i32 to vector<16x1xi32>
        %parallel_loop3A_648 = vector.shape_cast %parallel_loop3A_647 : vector<16x1xi32> to vector<16xi32>
        %parallel_loop3A_649 = tpu.dynamic_gather %parallel_loop3A_479[%parallel_loop3A_648] in [0] : vector<16xf32>, vector<16xi32> -> vector<16xf32>
        %parallel_loop3A_650 = arith.constant 0.000000e+00 : f32
        %parallel_loop3A_651 = vector.broadcast %parallel_loop3A_650 : f32 to vector<16xf32>
        %parallel_loop3A_652 = arith.select %eq3A_4, %parallel_loop3A_649, %parallel_loop3A_651 : vector<16xi1>, vector<16xf32>
        %parallel_loop3A_653 = arith.constant 1 : i32
        %parallel_loop3A_654 = arith.index_cast %parallel_loop3A_653 : i32 to index
        %parallel_loop3A_655 = arith.index_cast %parallel_loop3A_645 : i32 to index
        %parallel_loop3A_656 = arith.constant 0 : index
        %parallel_loop3A_657 = tpu.vector_load %arg8[%parallel_loop3A_654, %parallel_loop3A_655, %parallel_loop3A_656] {strides = array<i32>} : memref<2x1024x16xf32, #tpu.memory_space<vmem>>, vector<1x1x16xf32>,
        %parallel_loop3A_658 = vector.shape_cast %parallel_loop3A_657 : vector<1x1x16xf32> to vector<16xf32>
        %parallel_loop3A_659 = vector.shape_cast %parallel_loop3A_652 : vector<16xf32> to vector<1x1x16xf32>
        tpu.vector_store %arg8[%parallel_loop3A_654, %parallel_loop3A_655, %parallel_loop3A_656], %parallel_loop3A_659 {strides = array<i32>} : memref<2x1024x16xf32, #tpu.memory_space<vmem>>, vector<1x1x16xf32>,
        %parallel_loop3A_660 = arith.constant 16 : i32
        %parallel_loop3A_661 = arith.muli %parallel_loop3A_471, %parallel_loop3A_660 : i32
        %parallel_loop3A_662 = arith.constant 10 : i32
        %parallel_loop3A_663 = arith.addi %parallel_loop3A_661, %parallel_loop3A_662 : i32
        %parallel_loop3A_664 = arith.constant 10 : i32
        %parallel_loop3A_665 = vector.broadcast %parallel_loop3A_664 : i32 to vector<16x1xi32>
        %parallel_loop3A_666 = vector.shape_cast %parallel_loop3A_665 : vector<16x1xi32> to vector<16xi32>
        %parallel_loop3A_667 = tpu.dynamic_gather %parallel_loop3A_479[%parallel_loop3A_666] in [0] : vector<16xf32>, vector<16xi32> -> vector<16xf32>
        %parallel_loop3A_668 = arith.constant 0.000000e+00 : f32
        %parallel_loop3A_669 = vector.broadcast %parallel_loop3A_668 : f32 to vector<16xf32>
        %parallel_loop3A_670 = arith.select %eq3A_4, %parallel_loop3A_667, %parallel_loop3A_669 : vector<16xi1>, vector<16xf32>
        %parallel_loop3A_671 = arith.constant 1 : i32
        %parallel_loop3A_672 = arith.index_cast %parallel_loop3A_671 : i32 to index
        %parallel_loop3A_673 = arith.index_cast %parallel_loop3A_663 : i32 to index
        %parallel_loop3A_674 = arith.constant 0 : index
        %parallel_loop3A_675 = tpu.vector_load %arg8[%parallel_loop3A_672, %parallel_loop3A_673, %parallel_loop3A_674] {strides = array<i32>} : memref<2x1024x16xf32, #tpu.memory_space<vmem>>, vector<1x1x16xf32>,
        %parallel_loop3A_676 = vector.shape_cast %parallel_loop3A_675 : vector<1x1x16xf32> to vector<16xf32>
        %parallel_loop3A_677 = vector.shape_cast %parallel_loop3A_670 : vector<16xf32> to vector<1x1x16xf32>
        tpu.vector_store %arg8[%parallel_loop3A_672, %parallel_loop3A_673, %parallel_loop3A_674], %parallel_loop3A_677 {strides = array<i32>} : memref<2x1024x16xf32, #tpu.memory_space<vmem>>, vector<1x1x16xf32>,
        %parallel_loop3A_678 = arith.constant 16 : i32
        %parallel_loop3A_679 = arith.muli %parallel_loop3A_471, %parallel_loop3A_678 : i32
        %parallel_loop3A_680 = arith.constant 11 : i32
        %parallel_loop3A_681 = arith.addi %parallel_loop3A_679, %parallel_loop3A_680 : i32
        %parallel_loop3A_682 = arith.constant 11 : i32
        %parallel_loop3A_683 = vector.broadcast %parallel_loop3A_682 : i32 to vector<16x1xi32>
        %parallel_loop3A_684 = vector.shape_cast %parallel_loop3A_683 : vector<16x1xi32> to vector<16xi32>
        %parallel_loop3A_685 = tpu.dynamic_gather %parallel_loop3A_479[%parallel_loop3A_684] in [0] : vector<16xf32>, vector<16xi32> -> vector<16xf32>
        %parallel_loop3A_686 = arith.constant 0.000000e+00 : f32
        %parallel_loop3A_687 = vector.broadcast %parallel_loop3A_686 : f32 to vector<16xf32>
        %parallel_loop3A_688 = arith.select %eq3A_4, %parallel_loop3A_685, %parallel_loop3A_687 : vector<16xi1>, vector<16xf32>
        %parallel_loop3A_689 = arith.constant 1 : i32
        %parallel_loop3A_690 = arith.index_cast %parallel_loop3A_689 : i32 to index
        %parallel_loop3A_691 = arith.index_cast %parallel_loop3A_681 : i32 to index
        %parallel_loop3A_692 = arith.constant 0 : index
        %parallel_loop3A_693 = tpu.vector_load %arg8[%parallel_loop3A_690, %parallel_loop3A_691, %parallel_loop3A_692] {strides = array<i32>} : memref<2x1024x16xf32, #tpu.memory_space<vmem>>, vector<1x1x16xf32>,
        %parallel_loop3A_694 = vector.shape_cast %parallel_loop3A_693 : vector<1x1x16xf32> to vector<16xf32>
        %parallel_loop3A_695 = vector.shape_cast %parallel_loop3A_688 : vector<16xf32> to vector<1x1x16xf32>
        tpu.vector_store %arg8[%parallel_loop3A_690, %parallel_loop3A_691, %parallel_loop3A_692], %parallel_loop3A_695 {strides = array<i32>} : memref<2x1024x16xf32, #tpu.memory_space<vmem>>, vector<1x1x16xf32>,
        %parallel_loop3A_696 = arith.constant 16 : i32
        %parallel_loop3A_697 = arith.muli %parallel_loop3A_471, %parallel_loop3A_696 : i32
        %parallel_loop3A_698 = arith.constant 12 : i32
        %parallel_loop3A_699 = arith.addi %parallel_loop3A_697, %parallel_loop3A_698 : i32
        %parallel_loop3A_700 = arith.constant 12 : i32
        %parallel_loop3A_701 = vector.broadcast %parallel_loop3A_700 : i32 to vector<16x1xi32>
        %parallel_loop3A_702 = vector.shape_cast %parallel_loop3A_701 : vector<16x1xi32> to vector<16xi32>
        %parallel_loop3A_703 = tpu.dynamic_gather %parallel_loop3A_479[%parallel_loop3A_702] in [0] : vector<16xf32>, vector<16xi32> -> vector<16xf32>
        %parallel_loop3A_704 = arith.constant 0.000000e+00 : f32
        %parallel_loop3A_705 = vector.broadcast %parallel_loop3A_704 : f32 to vector<16xf32>
        %parallel_loop3A_706 = arith.select %eq3A_4, %parallel_loop3A_703, %parallel_loop3A_705 : vector<16xi1>, vector<16xf32>
        %parallel_loop3A_707 = arith.constant 1 : i32
        %parallel_loop3A_708 = arith.index_cast %parallel_loop3A_707 : i32 to index
        %parallel_loop3A_709 = arith.index_cast %parallel_loop3A_699 : i32 to index
        %parallel_loop3A_710 = arith.constant 0 : index
        %parallel_loop3A_711 = tpu.vector_load %arg8[%parallel_loop3A_708, %parallel_loop3A_709, %parallel_loop3A_710] {strides = array<i32>} : memref<2x1024x16xf32, #tpu.memory_space<vmem>>, vector<1x1x16xf32>,
        %parallel_loop3A_712 = vector.shape_cast %parallel_loop3A_711 : vector<1x1x16xf32> to vector<16xf32>
        %parallel_loop3A_713 = vector.shape_cast %parallel_loop3A_706 : vector<16xf32> to vector<1x1x16xf32>
        tpu.vector_store %arg8[%parallel_loop3A_708, %parallel_loop3A_709, %parallel_loop3A_710], %parallel_loop3A_713 {strides = array<i32>} : memref<2x1024x16xf32, #tpu.memory_space<vmem>>, vector<1x1x16xf32>,
        %parallel_loop3A_714 = arith.constant 16 : i32
        %parallel_loop3A_715 = arith.muli %parallel_loop3A_471, %parallel_loop3A_714 : i32
        %parallel_loop3A_716 = arith.constant 13 : i32
        %parallel_loop3A_717 = arith.addi %parallel_loop3A_715, %parallel_loop3A_716 : i32
        %parallel_loop3A_718 = arith.constant 13 : i32
        %parallel_loop3A_719 = vector.broadcast %parallel_loop3A_718 : i32 to vector<16x1xi32>
        %parallel_loop3A_720 = vector.shape_cast %parallel_loop3A_719 : vector<16x1xi32> to vector<16xi32>
        %parallel_loop3A_721 = tpu.dynamic_gather %parallel_loop3A_479[%parallel_loop3A_720] in [0] : vector<16xf32>, vector<16xi32> -> vector<16xf32>
        %parallel_loop3A_722 = arith.constant 0.000000e+00 : f32
        %parallel_loop3A_723 = vector.broadcast %parallel_loop3A_722 : f32 to vector<16xf32>
        %parallel_loop3A_724 = arith.select %eq3A_4, %parallel_loop3A_721, %parallel_loop3A_723 : vector<16xi1>, vector<16xf32>
        %parallel_loop3A_725 = arith.constant 1 : i32
        %parallel_loop3A_726 = arith.index_cast %parallel_loop3A_725 : i32 to index
        %parallel_loop3A_727 = arith.index_cast %parallel_loop3A_717 : i32 to index
        %parallel_loop3A_728 = arith.constant 0 : index
        %parallel_loop3A_729 = tpu.vector_load %arg8[%parallel_loop3A_726, %parallel_loop3A_727, %parallel_loop3A_728] {strides = array<i32>} : memref<2x1024x16xf32, #tpu.memory_space<vmem>>, vector<1x1x16xf32>,
        %parallel_loop3A_730 = vector.shape_cast %parallel_loop3A_729 : vector<1x1x16xf32> to vector<16xf32>
        %parallel_loop3A_731 = vector.shape_cast %parallel_loop3A_724 : vector<16xf32> to vector<1x1x16xf32>
        tpu.vector_store %arg8[%parallel_loop3A_726, %parallel_loop3A_727, %parallel_loop3A_728], %parallel_loop3A_731 {strides = array<i32>} : memref<2x1024x16xf32, #tpu.memory_space<vmem>>, vector<1x1x16xf32>,
        %parallel_loop3A_732 = arith.constant 16 : i32
        %parallel_loop3A_733 = arith.muli %parallel_loop3A_471, %parallel_loop3A_732 : i32
        %parallel_loop3A_734 = arith.constant 14 : i32
        %parallel_loop3A_735 = arith.addi %parallel_loop3A_733, %parallel_loop3A_734 : i32
        %parallel_loop3A_736 = arith.constant 14 : i32
        %parallel_loop3A_737 = vector.broadcast %parallel_loop3A_736 : i32 to vector<16x1xi32>
        %parallel_loop3A_738 = vector.shape_cast %parallel_loop3A_737 : vector<16x1xi32> to vector<16xi32>
        %parallel_loop3A_739 = tpu.dynamic_gather %parallel_loop3A_479[%parallel_loop3A_738] in [0] : vector<16xf32>, vector<16xi32> -> vector<16xf32>
        %parallel_loop3A_740 = arith.constant 0.000000e+00 : f32
        %parallel_loop3A_741 = vector.broadcast %parallel_loop3A_740 : f32 to vector<16xf32>
        %parallel_loop3A_742 = arith.select %eq3A_4, %parallel_loop3A_739, %parallel_loop3A_741 : vector<16xi1>, vector<16xf32>
        %parallel_loop3A_743 = arith.constant 1 : i32
        %parallel_loop3A_744 = arith.index_cast %parallel_loop3A_743 : i32 to index
        %parallel_loop3A_745 = arith.index_cast %parallel_loop3A_735 : i32 to index
        %parallel_loop3A_746 = arith.constant 0 : index
        %parallel_loop3A_747 = tpu.vector_load %arg8[%parallel_loop3A_744, %parallel_loop3A_745, %parallel_loop3A_746] {strides = array<i32>} : memref<2x1024x16xf32, #tpu.memory_space<vmem>>, vector<1x1x16xf32>,
        %parallel_loop3A_748 = vector.shape_cast %parallel_loop3A_747 : vector<1x1x16xf32> to vector<16xf32>
        %parallel_loop3A_749 = vector.shape_cast %parallel_loop3A_742 : vector<16xf32> to vector<1x1x16xf32>
        tpu.vector_store %arg8[%parallel_loop3A_744, %parallel_loop3A_745, %parallel_loop3A_746], %parallel_loop3A_749 {strides = array<i32>} : memref<2x1024x16xf32, #tpu.memory_space<vmem>>, vector<1x1x16xf32>,
        %parallel_loop3A_750 = arith.constant 16 : i32
        %parallel_loop3A_751 = arith.muli %parallel_loop3A_471, %parallel_loop3A_750 : i32
        %parallel_loop3A_752 = arith.constant 15 : i32
        %parallel_loop3A_753 = arith.addi %parallel_loop3A_751, %parallel_loop3A_752 : i32
        %parallel_loop3A_754 = arith.constant 15 : i32
        %parallel_loop3A_755 = vector.broadcast %parallel_loop3A_754 : i32 to vector<16x1xi32>
        %parallel_loop3A_756 = vector.shape_cast %parallel_loop3A_755 : vector<16x1xi32> to vector<16xi32>
        %parallel_loop3A_757 = tpu.dynamic_gather %parallel_loop3A_479[%parallel_loop3A_756] in [0] : vector<16xf32>, vector<16xi32> -> vector<16xf32>
        %parallel_loop3A_758 = arith.constant 0.000000e+00 : f32
        %parallel_loop3A_759 = vector.broadcast %parallel_loop3A_758 : f32 to vector<16xf32>
        %parallel_loop3A_760 = arith.select %eq3A_4, %parallel_loop3A_757, %parallel_loop3A_759 : vector<16xi1>, vector<16xf32>
        %parallel_loop3A_761 = arith.constant 1 : i32
        %parallel_loop3A_762 = arith.index_cast %parallel_loop3A_761 : i32 to index
        %parallel_loop3A_763 = arith.index_cast %parallel_loop3A_753 : i32 to index
        %parallel_loop3A_764 = arith.constant 0 : index
        %parallel_loop3A_765 = tpu.vector_load %arg8[%parallel_loop3A_762, %parallel_loop3A_763, %parallel_loop3A_764] {strides = array<i32>} : memref<2x1024x16xf32, #tpu.memory_space<vmem>>, vector<1x1x16xf32>,
        %parallel_loop3A_766 = vector.shape_cast %parallel_loop3A_765 : vector<1x1x16xf32> to vector<16xf32>
        %parallel_loop3A_767 = vector.shape_cast %parallel_loop3A_760 : vector<16xf32> to vector<1x1x16xf32>
        tpu.vector_store %arg8[%parallel_loop3A_762, %parallel_loop3A_763, %parallel_loop3A_764], %parallel_loop3A_767 {strides = array<i32>} : memref<2x1024x16xf32, #tpu.memory_space<vmem>>, vector<1x1x16xf32>,
      } {sc.loop_unroll_factor = 2 : i64, sc.parallel_access}
      %add3A_348 = arith.constant 1 : i32
      %add3A_349 = arith.addi %mul3A_210, %add3A_348 : i32
      %mul3A_350 = arith.constant 8 : i32
      %mul3A_351 = arith.muli %add3A_349, %mul3A_350 : i32
      %add3A_352 = arith.constant 0 : i32
      %add3A_353 = arith.addi %mul3A_351, %add3A_352 : i32
      %dma_start3A_354 = arith.constant 1 : i32
      %dma_start3A_355 = arith.constant 0 : i32
      %dma_start3A_356 = arith.constant 0 : i32
      %dma_start3A_357 = tpu.memref_slice %arg8[%dma_start3A_354, %dma_start3A_355, %dma_start3A_356] : memref<2x1024x16xf32, #tpu.memory_space<vmem>> -> memref<1x128x16xf32, #tpu.memory_space<vmem>>
      %dma_start3A_358 = tpu.memref_squeeze %dma_start3A_357 : memref<1x128x16xf32, #tpu.memory_space<vmem>> -> memref<128x16xf32, #tpu.memory_space<vmem>>
      %dma_start3A_359 = arith.constant 0 : i32
      %dma_start3A_360 = tpu.memref_slice %arg7[%add3A_353, %dma_start3A_359] : memref<80x128xi32, #tpu.memory_space<vmem>> -> memref<1x128xi32, #tpu.memory_space<vmem>>
      %dma_start3A_361 = tpu.memref_squeeze %dma_start3A_360 : memref<1x128xi32, #tpu.memory_space<vmem>> -> memref<128xi32, #tpu.memory_space<vmem>>
      %dma_start3A_362 = arith.constant 0 : i32
      %dma_start3A_363 = arith.constant 0 : i32
      %dma_start3A_364 = tpu.memref_slice %arg9[%dma_start3A_362, %dma_start3A_363] : memref<10240x16xf32, #tpu.memory_space<vmem_shared>> -> memref<10240x16xf32, #tpu.memory_space<vmem_shared>>
      tpu.enqueue_indirect_dma source(%dma_start3A_358 : memref<128x16xf32, #tpu.memory_space<vmem>>) target(%dma_start3A_364 : memref<10240x16xf32, #tpu.memory_space<vmem_shared>>) offsets(%dma_start3A_361 : memref<128xi32, #tpu.memory_space<vmem>>) semaphore(%arg11 : memref<!tpu.dma_semaphore, #tpu.memory_space<semaphore_mem>>) {add = true}
      %mul3A_365 = arith.constant 8 : i32
      %mul3A_366 = arith.muli %add3A_349, %mul3A_365 : i32
      %add3A_367 = arith.constant 1 : i32
      %add3A_368 = arith.addi %mul3A_366, %add3A_367 : i32
      %dma_start3A_369 = arith.constant 1 : i32
      %dma_start3A_370 = arith.constant 128 : i32
      %dma_start3A_371 = arith.constant 0 : i32
      %dma_start3A_372 = tpu.memref_slice %arg8[%dma_start3A_369, %dma_start3A_370, %dma_start3A_371] : memref<2x1024x16xf32, #tpu.memory_space<vmem>> -> memref<1x128x16xf32, #tpu.memory_space<vmem>>
      %dma_start3A_373 = tpu.memref_squeeze %dma_start3A_372 : memref<1x128x16xf32, #tpu.memory_space<vmem>> -> memref<128x16xf32, #tpu.memory_space<vmem>>
      %dma_start3A_374 = arith.constant 0 : i32
      %dma_start3A_375 = tpu.memref_slice %arg7[%add3A_368, %dma_start3A_374] : memref<80x128xi32, #tpu.memory_space<vmem>> -> memref<1x128xi32, #tpu.memory_space<vmem>>
      %dma_start3A_376 = tpu.memref_squeeze %dma_start3A_375 : memref<1x128xi32, #tpu.memory_space<vmem>> -> memref<128xi32, #tpu.memory_space<vmem>>
      %dma_start3A_377 = arith.constant 0 : i32
      %dma_start3A_378 = arith.constant 0 : i32
      %dma_start3A_379 = tpu.memref_slice %arg9[%dma_start3A_377, %dma_start3A_378] : memref<10240x16xf32, #tpu.memory_space<vmem_shared>> -> memref<10240x16xf32, #tpu.memory_space<vmem_shared>>
      tpu.enqueue_indirect_dma source(%dma_start3A_373 : memref<128x16xf32, #tpu.memory_space<vmem>>) target(%dma_start3A_379 : memref<10240x16xf32, #tpu.memory_space<vmem_shared>>) offsets(%dma_start3A_376 : memref<128xi32, #tpu.memory_space<vmem>>) semaphore(%arg11 : memref<!tpu.dma_semaphore, #tpu.memory_space<semaphore_mem>>) {add = true}
      %mul3A_380 = arith.constant 8 : i32
      %mul3A_381 = arith.muli %add3A_349, %mul3A_380 : i32
      %add3A_382 = arith.constant 2 : i32
      %add3A_383 = arith.addi %mul3A_381, %add3A_382 : i32
      %dma_start3A_384 = arith.constant 1 : i32
      %dma_start3A_385 = arith.constant 256 : i32
      %dma_start3A_386 = arith.constant 0 : i32
      %dma_start3A_387 = tpu.memref_slice %arg8[%dma_start3A_384, %dma_start3A_385, %dma_start3A_386] : memref<2x1024x16xf32, #tpu.memory_space<vmem>> -> memref<1x128x16xf32, #tpu.memory_space<vmem>>
      %dma_start3A_388 = tpu.memref_squeeze %dma_start3A_387 : memref<1x128x16xf32, #tpu.memory_space<vmem>> -> memref<128x16xf32, #tpu.memory_space<vmem>>
      %dma_start3A_389 = arith.constant 0 : i32
      %dma_start3A_390 = tpu.memref_slice %arg7[%add3A_383, %dma_start3A_389] : memref<80x128xi32, #tpu.memory_space<vmem>> -> memref<1x128xi32, #tpu.memory_space<vmem>>
      %dma_start3A_391 = tpu.memref_squeeze %dma_start3A_390 : memref<1x128xi32, #tpu.memory_space<vmem>> -> memref<128xi32, #tpu.memory_space<vmem>>
      %dma_start3A_392 = arith.constant 0 : i32
      %dma_start3A_393 = arith.constant 0 : i32
      %dma_start3A_394 = tpu.memref_slice %arg9[%dma_start3A_392, %dma_start3A_393] : memref<10240x16xf32, #tpu.memory_space<vmem_shared>> -> memref<10240x16xf32, #tpu.memory_space<vmem_shared>>
      tpu.enqueue_indirect_dma source(%dma_start3A_388 : memref<128x16xf32, #tpu.memory_space<vmem>>) target(%dma_start3A_394 : memref<10240x16xf32, #tpu.memory_space<vmem_shared>>) offsets(%dma_start3A_391 : memref<128xi32, #tpu.memory_space<vmem>>) semaphore(%arg11 : memref<!tpu.dma_semaphore, #tpu.memory_space<semaphore_mem>>) {add = true}
      %mul3A_395 = arith.constant 8 : i32
      %mul3A_396 = arith.muli %add3A_349, %mul3A_395 : i32
      %add3A_397 = arith.constant 3 : i32
      %add3A_398 = arith.addi %mul3A_396, %add3A_397 : i32
      %dma_start3A_399 = arith.constant 1 : i32
      %dma_start3A_400 = arith.constant 384 : i32
      %dma_start3A_401 = arith.constant 0 : i32
      %dma_start3A_402 = tpu.memref_slice %arg8[%dma_start3A_399, %dma_start3A_400, %dma_start3A_401] : memref<2x1024x16xf32, #tpu.memory_space<vmem>> -> memref<1x128x16xf32, #tpu.memory_space<vmem>>
      %dma_start3A_403 = tpu.memref_squeeze %dma_start3A_402 : memref<1x128x16xf32, #tpu.memory_space<vmem>> -> memref<128x16xf32, #tpu.memory_space<vmem>>
      %dma_start3A_404 = arith.constant 0 : i32
      %dma_start3A_405 = tpu.memref_slice %arg7[%add3A_398, %dma_start3A_404] : memref<80x128xi32, #tpu.memory_space<vmem>> -> memref<1x128xi32, #tpu.memory_space<vmem>>
      %dma_start3A_406 = tpu.memref_squeeze %dma_start3A_405 : memref<1x128xi32, #tpu.memory_space<vmem>> -> memref<128xi32, #tpu.memory_space<vmem>>
      %dma_start3A_407 = arith.constant 0 : i32
      %dma_start3A_408 = arith.constant 0 : i32
      %dma_start3A_409 = tpu.memref_slice %arg9[%dma_start3A_407, %dma_start3A_408] : memref<10240x16xf32, #tpu.memory_space<vmem_shared>> -> memref<10240x16xf32, #tpu.memory_space<vmem_shared>>
      tpu.enqueue_indirect_dma source(%dma_start3A_403 : memref<128x16xf32, #tpu.memory_space<vmem>>) target(%dma_start3A_409 : memref<10240x16xf32, #tpu.memory_space<vmem_shared>>) offsets(%dma_start3A_406 : memref<128xi32, #tpu.memory_space<vmem>>) semaphore(%arg11 : memref<!tpu.dma_semaphore, #tpu.memory_space<semaphore_mem>>) {add = true}
      %mul3A_410 = arith.constant 8 : i32
      %mul3A_411 = arith.muli %add3A_349, %mul3A_410 : i32
      %add3A_412 = arith.constant 4 : i32
      %add3A_413 = arith.addi %mul3A_411, %add3A_412 : i32
      %dma_start3A_414 = arith.constant 1 : i32
      %dma_start3A_415 = arith.constant 512 : i32
      %dma_start3A_416 = arith.constant 0 : i32
      %dma_start3A_417 = tpu.memref_slice %arg8[%dma_start3A_414, %dma_start3A_415, %dma_start3A_416] : memref<2x1024x16xf32, #tpu.memory_space<vmem>> -> memref<1x128x16xf32, #tpu.memory_space<vmem>>
      %dma_start3A_418 = tpu.memref_squeeze %dma_start3A_417 : memref<1x128x16xf32, #tpu.memory_space<vmem>> -> memref<128x16xf32, #tpu.memory_space<vmem>>
      %dma_start3A_419 = arith.constant 0 : i32
      %dma_start3A_420 = tpu.memref_slice %arg7[%add3A_413, %dma_start3A_419] : memref<80x128xi32, #tpu.memory_space<vmem>> -> memref<1x128xi32, #tpu.memory_space<vmem>>
      %dma_start3A_421 = tpu.memref_squeeze %dma_start3A_420 : memref<1x128xi32, #tpu.memory_space<vmem>> -> memref<128xi32, #tpu.memory_space<vmem>>
      %dma_start3A_422 = arith.constant 0 : i32
      %dma_start3A_423 = arith.constant 0 : i32
      %dma_start3A_424 = tpu.memref_slice %arg9[%dma_start3A_422, %dma_start3A_423] : memref<10240x16xf32, #tpu.memory_space<vmem_shared>> -> memref<10240x16xf32, #tpu.memory_space<vmem_shared>>
      tpu.enqueue_indirect_dma source(%dma_start3A_418 : memref<128x16xf32, #tpu.memory_space<vmem>>) target(%dma_start3A_424 : memref<10240x16xf32, #tpu.memory_space<vmem_shared>>) offsets(%dma_start3A_421 : memref<128xi32, #tpu.memory_space<vmem>>) semaphore(%arg11 : memref<!tpu.dma_semaphore, #tpu.memory_space<semaphore_mem>>) {add = true}
      %mul3A_425 = arith.constant 8 : i32
      %mul3A_426 = arith.muli %add3A_349, %mul3A_425 : i32
      %add3A_427 = arith.constant 5 : i32
      %add3A_428 = arith.addi %mul3A_426, %add3A_427 : i32
      %dma_start3A_429 = arith.constant 1 : i32
      %dma_start3A_430 = arith.constant 640 : i32
      %dma_start3A_431 = arith.constant 0 : i32
      %dma_start3A_432 = tpu.memref_slice %arg8[%dma_start3A_429, %dma_start3A_430, %dma_start3A_431] : memref<2x1024x16xf32, #tpu.memory_space<vmem>> -> memref<1x128x16xf32, #tpu.memory_space<vmem>>
      %dma_start3A_433 = tpu.memref_squeeze %dma_start3A_432 : memref<1x128x16xf32, #tpu.memory_space<vmem>> -> memref<128x16xf32, #tpu.memory_space<vmem>>
      %dma_start3A_434 = arith.constant 0 : i32
      %dma_start3A_435 = tpu.memref_slice %arg7[%add3A_428, %dma_start3A_434] : memref<80x128xi32, #tpu.memory_space<vmem>> -> memref<1x128xi32, #tpu.memory_space<vmem>>
      %dma_start3A_436 = tpu.memref_squeeze %dma_start3A_435 : memref<1x128xi32, #tpu.memory_space<vmem>> -> memref<128xi32, #tpu.memory_space<vmem>>
      %dma_start3A_437 = arith.constant 0 : i32
      %dma_start3A_438 = arith.constant 0 : i32
      %dma_start3A_439 = tpu.memref_slice %arg9[%dma_start3A_437, %dma_start3A_438] : memref<10240x16xf32, #tpu.memory_space<vmem_shared>> -> memref<10240x16xf32, #tpu.memory_space<vmem_shared>>
      tpu.enqueue_indirect_dma source(%dma_start3A_433 : memref<128x16xf32, #tpu.memory_space<vmem>>) target(%dma_start3A_439 : memref<10240x16xf32, #tpu.memory_space<vmem_shared>>) offsets(%dma_start3A_436 : memref<128xi32, #tpu.memory_space<vmem>>) semaphore(%arg11 : memref<!tpu.dma_semaphore, #tpu.memory_space<semaphore_mem>>) {add = true}
      %mul3A_440 = arith.constant 8 : i32
      %mul3A_441 = arith.muli %add3A_349, %mul3A_440 : i32
      %add3A_442 = arith.constant 6 : i32
      %add3A_443 = arith.addi %mul3A_441, %add3A_442 : i32
      %dma_start3A_444 = arith.constant 1 : i32
      %dma_start3A_445 = arith.constant 768 : i32
      %dma_start3A_446 = arith.constant 0 : i32
      %dma_start3A_447 = tpu.memref_slice %arg8[%dma_start3A_444, %dma_start3A_445, %dma_start3A_446] : memref<2x1024x16xf32, #tpu.memory_space<vmem>> -> memref<1x128x16xf32, #tpu.memory_space<vmem>>
      %dma_start3A_448 = tpu.memref_squeeze %dma_start3A_447 : memref<1x128x16xf32, #tpu.memory_space<vmem>> -> memref<128x16xf32, #tpu.memory_space<vmem>>
      %dma_start3A_449 = arith.constant 0 : i32
      %dma_start3A_450 = tpu.memref_slice %arg7[%add3A_443, %dma_start3A_449] : memref<80x128xi32, #tpu.memory_space<vmem>> -> memref<1x128xi32, #tpu.memory_space<vmem>>
      %dma_start3A_451 = tpu.memref_squeeze %dma_start3A_450 : memref<1x128xi32, #tpu.memory_space<vmem>> -> memref<128xi32, #tpu.memory_space<vmem>>
      %dma_start3A_452 = arith.constant 0 : i32
      %dma_start3A_453 = arith.constant 0 : i32
      %dma_start3A_454 = tpu.memref_slice %arg9[%dma_start3A_452, %dma_start3A_453] : memref<10240x16xf32, #tpu.memory_space<vmem_shared>> -> memref<10240x16xf32, #tpu.memory_space<vmem_shared>>
      tpu.enqueue_indirect_dma source(%dma_start3A_448 : memref<128x16xf32, #tpu.memory_space<vmem>>) target(%dma_start3A_454 : memref<10240x16xf32, #tpu.memory_space<vmem_shared>>) offsets(%dma_start3A_451 : memref<128xi32, #tpu.memory_space<vmem>>) semaphore(%arg11 : memref<!tpu.dma_semaphore, #tpu.memory_space<semaphore_mem>>) {add = true}
      %mul3A_455 = arith.constant 8 : i32
      %mul3A_456 = arith.muli %add3A_349, %mul3A_455 : i32
      %add3A_457 = arith.constant 7 : i32
      %add3A_458 = arith.addi %mul3A_456, %add3A_457 : i32
      %dma_start3A_459 = arith.constant 1 : i32
      %dma_start3A_460 = arith.constant 896 : i32
      %dma_start3A_461 = arith.constant 0 : i32
      %dma_start3A_462 = tpu.memref_slice %arg8[%dma_start3A_459, %dma_start3A_460, %dma_start3A_461] : memref<2x1024x16xf32, #tpu.memory_space<vmem>> -> memref<1x128x16xf32, #tpu.memory_space<vmem>>
      %dma_start3A_463 = tpu.memref_squeeze %dma_start3A_462 : memref<1x128x16xf32, #tpu.memory_space<vmem>> -> memref<128x16xf32, #tpu.memory_space<vmem>>
      %dma_start3A_464 = arith.constant 0 : i32
      %dma_start3A_465 = tpu.memref_slice %arg7[%add3A_458, %dma_start3A_464] : memref<80x128xi32, #tpu.memory_space<vmem>> -> memref<1x128xi32, #tpu.memory_space<vmem>>
      %dma_start3A_466 = tpu.memref_squeeze %dma_start3A_465 : memref<1x128xi32, #tpu.memory_space<vmem>> -> memref<128xi32, #tpu.memory_space<vmem>>
      %dma_start3A_467 = arith.constant 0 : i32
      %dma_start3A_468 = arith.constant 0 : i32
      %dma_start3A_469 = tpu.memref_slice %arg9[%dma_start3A_467, %dma_start3A_468] : memref<10240x16xf32, #tpu.memory_space<vmem_shared>> -> memref<10240x16xf32, #tpu.memory_space<vmem_shared>>
      tpu.enqueue_indirect_dma source(%dma_start3A_463 : memref<128x16xf32, #tpu.memory_space<vmem>>) target(%dma_start3A_469 : memref<10240x16xf32, #tpu.memory_space<vmem_shared>>) offsets(%dma_start3A_466 : memref<128xi32, #tpu.memory_space<vmem>>) semaphore(%arg11 : memref<!tpu.dma_semaphore, #tpu.memory_space<semaphore_mem>>) {add = true}
      %scan3A_470 = arith.constant 0 : i32
      scf.yield %scan3A_470 : i32
    }
    %scan3A_10 = arith.constant 5 : i32
    %dma_wait3A = arith.constant 0 : i32
    %dma_wait3A_11 = arith.constant 0 : i32
    %dma_wait3A_12 = arith.constant 0 : i32
    %dma_wait3A_13 = arith.constant 0 : i32
    %dma_wait3A_14 = tpu.memref_slice %arg8[%dma_wait3A, %dma_wait3A_12, %dma_wait3A_13] : memref<2x1024x16xf32, #tpu.memory_space<vmem>> -> memref<1x128x16xf32, #tpu.memory_space<vmem>>
    %dma_wait3A_15 = tpu.memref_squeeze %dma_wait3A_14 : memref<1x128x16xf32, #tpu.memory_space<vmem>> -> memref<128x16xf32, #tpu.memory_space<vmem>>
    %dma_wait3A_16 = arith.constant 0 : i32
    %dma_wait3A_17 = tpu.memref_slice %arg7[%dma_wait3A_11, %dma_wait3A_16] : memref<80x128xi32, #tpu.memory_space<vmem>> -> memref<1x128xi32, #tpu.memory_space<vmem>>
    %dma_wait3A_18 = tpu.memref_squeeze %dma_wait3A_17 : memref<1x128xi32, #tpu.memory_space<vmem>> -> memref<128xi32, #tpu.memory_space<vmem>>
    %dma_wait3A_19 = arith.constant 0 : i32
    %dma_wait3A_20 = arith.constant 0 : i32
    %dma_wait3A_21 = tpu.memref_slice %arg9[%dma_wait3A_19, %dma_wait3A_20] : memref<10240x16xf32, #tpu.memory_space<vmem_shared>> -> memref<10240x16xf32, #tpu.memory_space<vmem_shared>>
    tpu.wait_indirect_dma semaphore(%arg10 : memref<!tpu.dma_semaphore, #tpu.memory_space<semaphore_mem>>) src(%dma_wait3A_15 : memref<128x16xf32, #tpu.memory_space<vmem>>) dst(%dma_wait3A_21 : memref<10240x16xf32, #tpu.memory_space<vmem_shared>>)
    %dma_wait3A_22 = arith.constant 0 : i32
    %dma_wait3A_23 = arith.constant 1 : i32
    %dma_wait3A_24 = arith.constant 128 : i32
    %dma_wait3A_25 = arith.constant 0 : i32
    %dma_wait3A_26 = tpu.memref_slice %arg8[%dma_wait3A_22, %dma_wait3A_24, %dma_wait3A_25] : memref<2x1024x16xf32, #tpu.memory_space<vmem>> -> memref<1x128x16xf32, #tpu.memory_space<vmem>>
    %dma_wait3A_27 = tpu.memref_squeeze %dma_wait3A_26 : memref<1x128x16xf32, #tpu.memory_space<vmem>> -> memref<128x16xf32, #tpu.memory_space<vmem>>
    %dma_wait3A_28 = arith.constant 0 : i32
    %dma_wait3A_29 = tpu.memref_slice %arg7[%dma_wait3A_23, %dma_wait3A_28] : memref<80x128xi32, #tpu.memory_space<vmem>> -> memref<1x128xi32, #tpu.memory_space<vmem>>
    %dma_wait3A_30 = tpu.memref_squeeze %dma_wait3A_29 : memref<1x128xi32, #tpu.memory_space<vmem>> -> memref<128xi32, #tpu.memory_space<vmem>>
    %dma_wait3A_31 = arith.constant 0 : i32
    %dma_wait3A_32 = arith.constant 0 : i32
    %dma_wait3A_33 = tpu.memref_slice %arg9[%dma_wait3A_31, %dma_wait3A_32] : memref<10240x16xf32, #tpu.memory_space<vmem_shared>> -> memref<10240x16xf32, #tpu.memory_space<vmem_shared>>
    tpu.wait_indirect_dma semaphore(%arg10 : memref<!tpu.dma_semaphore, #tpu.memory_space<semaphore_mem>>) src(%dma_wait3A_27 : memref<128x16xf32, #tpu.memory_space<vmem>>) dst(%dma_wait3A_33 : memref<10240x16xf32, #tpu.memory_space<vmem_shared>>)
    %dma_wait3A_34 = arith.constant 0 : i32
    %dma_wait3A_35 = arith.constant 2 : i32
    %dma_wait3A_36 = arith.constant 256 : i32
    %dma_wait3A_37 = arith.constant 0 : i32
    %dma_wait3A_38 = tpu.memref_slice %arg8[%dma_wait3A_34, %dma_wait3A_36, %dma_wait3A_37] : memref<2x1024x16xf32, #tpu.memory_space<vmem>> -> memref<1x128x16xf32, #tpu.memory_space<vmem>>
    %dma_wait3A_39 = tpu.memref_squeeze %dma_wait3A_38 : memref<1x128x16xf32, #tpu.memory_space<vmem>> -> memref<128x16xf32, #tpu.memory_space<vmem>>
    %dma_wait3A_40 = arith.constant 0 : i32
    %dma_wait3A_41 = tpu.memref_slice %arg7[%dma_wait3A_35, %dma_wait3A_40] : memref<80x128xi32, #tpu.memory_space<vmem>> -> memref<1x128xi32, #tpu.memory_space<vmem>>
    %dma_wait3A_42 = tpu.memref_squeeze %dma_wait3A_41 : memref<1x128xi32, #tpu.memory_space<vmem>> -> memref<128xi32, #tpu.memory_space<vmem>>
    %dma_wait3A_43 = arith.constant 0 : i32
    %dma_wait3A_44 = arith.constant 0 : i32
    %dma_wait3A_45 = tpu.memref_slice %arg9[%dma_wait3A_43, %dma_wait3A_44] : memref<10240x16xf32, #tpu.memory_space<vmem_shared>> -> memref<10240x16xf32, #tpu.memory_space<vmem_shared>>
    tpu.wait_indirect_dma semaphore(%arg10 : memref<!tpu.dma_semaphore, #tpu.memory_space<semaphore_mem>>) src(%dma_wait3A_39 : memref<128x16xf32, #tpu.memory_space<vmem>>) dst(%dma_wait3A_45 : memref<10240x16xf32, #tpu.memory_space<vmem_shared>>)
    %dma_wait3A_46 = arith.constant 0 : i32
    %dma_wait3A_47 = arith.constant 3 : i32
    %dma_wait3A_48 = arith.constant 384 : i32
    %dma_wait3A_49 = arith.constant 0 : i32
    %dma_wait3A_50 = tpu.memref_slice %arg8[%dma_wait3A_46, %dma_wait3A_48, %dma_wait3A_49] : memref<2x1024x16xf32, #tpu.memory_space<vmem>> -> memref<1x128x16xf32, #tpu.memory_space<vmem>>
    %dma_wait3A_51 = tpu.memref_squeeze %dma_wait3A_50 : memref<1x128x16xf32, #tpu.memory_space<vmem>> -> memref<128x16xf32, #tpu.memory_space<vmem>>
    %dma_wait3A_52 = arith.constant 0 : i32
    %dma_wait3A_53 = tpu.memref_slice %arg7[%dma_wait3A_47, %dma_wait3A_52] : memref<80x128xi32, #tpu.memory_space<vmem>> -> memref<1x128xi32, #tpu.memory_space<vmem>>
    %dma_wait3A_54 = tpu.memref_squeeze %dma_wait3A_53 : memref<1x128xi32, #tpu.memory_space<vmem>> -> memref<128xi32, #tpu.memory_space<vmem>>
    %dma_wait3A_55 = arith.constant 0 : i32
    %dma_wait3A_56 = arith.constant 0 : i32
    %dma_wait3A_57 = tpu.memref_slice %arg9[%dma_wait3A_55, %dma_wait3A_56] : memref<10240x16xf32, #tpu.memory_space<vmem_shared>> -> memref<10240x16xf32, #tpu.memory_space<vmem_shared>>
    tpu.wait_indirect_dma semaphore(%arg10 : memref<!tpu.dma_semaphore, #tpu.memory_space<semaphore_mem>>) src(%dma_wait3A_51 : memref<128x16xf32, #tpu.memory_space<vmem>>) dst(%dma_wait3A_57 : memref<10240x16xf32, #tpu.memory_space<vmem_shared>>)
    %dma_wait3A_58 = arith.constant 0 : i32
    %dma_wait3A_59 = arith.constant 4 : i32
    %dma_wait3A_60 = arith.constant 512 : i32
    %dma_wait3A_61 = arith.constant 0 : i32
    %dma_wait3A_62 = tpu.memref_slice %arg8[%dma_wait3A_58, %dma_wait3A_60, %dma_wait3A_61] : memref<2x1024x16xf32, #tpu.memory_space<vmem>> -> memref<1x128x16xf32, #tpu.memory_space<vmem>>
    %dma_wait3A_63 = tpu.memref_squeeze %dma_wait3A_62 : memref<1x128x16xf32, #tpu.memory_space<vmem>> -> memref<128x16xf32, #tpu.memory_space<vmem>>
    %dma_wait3A_64 = arith.constant 0 : i32
    %dma_wait3A_65 = tpu.memref_slice %arg7[%dma_wait3A_59, %dma_wait3A_64] : memref<80x128xi32, #tpu.memory_space<vmem>> -> memref<1x128xi32, #tpu.memory_space<vmem>>
    %dma_wait3A_66 = tpu.memref_squeeze %dma_wait3A_65 : memref<1x128xi32, #tpu.memory_space<vmem>> -> memref<128xi32, #tpu.memory_space<vmem>>
    %dma_wait3A_67 = arith.constant 0 : i32
    %dma_wait3A_68 = arith.constant 0 : i32
    %dma_wait3A_69 = tpu.memref_slice %arg9[%dma_wait3A_67, %dma_wait3A_68] : memref<10240x16xf32, #tpu.memory_space<vmem_shared>> -> memref<10240x16xf32, #tpu.memory_space<vmem_shared>>
    tpu.wait_indirect_dma semaphore(%arg10 : memref<!tpu.dma_semaphore, #tpu.memory_space<semaphore_mem>>) src(%dma_wait3A_63 : memref<128x16xf32, #tpu.memory_space<vmem>>) dst(%dma_wait3A_69 : memref<10240x16xf32, #tpu.memory_space<vmem_shared>>)
    %dma_wait3A_70 = arith.constant 0 : i32
    %dma_wait3A_71 = arith.constant 5 : i32
    %dma_wait3A_72 = arith.constant 640 : i32
    %dma_wait3A_73 = arith.constant 0 : i32
    %dma_wait3A_74 = tpu.memref_slice %arg8[%dma_wait3A_70, %dma_wait3A_72, %dma_wait3A_73] : memref<2x1024x16xf32, #tpu.memory_space<vmem>> -> memref<1x128x16xf32, #tpu.memory_space<vmem>>
    %dma_wait3A_75 = tpu.memref_squeeze %dma_wait3A_74 : memref<1x128x16xf32, #tpu.memory_space<vmem>> -> memref<128x16xf32, #tpu.memory_space<vmem>>
    %dma_wait3A_76 = arith.constant 0 : i32
    %dma_wait3A_77 = tpu.memref_slice %arg7[%dma_wait3A_71, %dma_wait3A_76] : memref<80x128xi32, #tpu.memory_space<vmem>> -> memref<1x128xi32, #tpu.memory_space<vmem>>
    %dma_wait3A_78 = tpu.memref_squeeze %dma_wait3A_77 : memref<1x128xi32, #tpu.memory_space<vmem>> -> memref<128xi32, #tpu.memory_space<vmem>>
    %dma_wait3A_79 = arith.constant 0 : i32
    %dma_wait3A_80 = arith.constant 0 : i32
    %dma_wait3A_81 = tpu.memref_slice %arg9[%dma_wait3A_79, %dma_wait3A_80] : memref<10240x16xf32, #tpu.memory_space<vmem_shared>> -> memref<10240x16xf32, #tpu.memory_space<vmem_shared>>
    tpu.wait_indirect_dma semaphore(%arg10 : memref<!tpu.dma_semaphore, #tpu.memory_space<semaphore_mem>>) src(%dma_wait3A_75 : memref<128x16xf32, #tpu.memory_space<vmem>>) dst(%dma_wait3A_81 : memref<10240x16xf32, #tpu.memory_space<vmem_shared>>)
    %dma_wait3A_82 = arith.constant 0 : i32
    %dma_wait3A_83 = arith.constant 6 : i32
    %dma_wait3A_84 = arith.constant 768 : i32
    %dma_wait3A_85 = arith.constant 0 : i32
    %dma_wait3A_86 = tpu.memref_slice %arg8[%dma_wait3A_82, %dma_wait3A_84, %dma_wait3A_85] : memref<2x1024x16xf32, #tpu.memory_space<vmem>> -> memref<1x128x16xf32, #tpu.memory_space<vmem>>
    %dma_wait3A_87 = tpu.memref_squeeze %dma_wait3A_86 : memref<1x128x16xf32, #tpu.memory_space<vmem>> -> memref<128x16xf32, #tpu.memory_space<vmem>>
    %dma_wait3A_88 = arith.constant 0 : i32
    %dma_wait3A_89 = tpu.memref_slice %arg7[%dma_wait3A_83, %dma_wait3A_88] : memref<80x128xi32, #tpu.memory_space<vmem>> -> memref<1x128xi32, #tpu.memory_space<vmem>>
    %dma_wait3A_90 = tpu.memref_squeeze %dma_wait3A_89 : memref<1x128xi32, #tpu.memory_space<vmem>> -> memref<128xi32, #tpu.memory_space<vmem>>
    %dma_wait3A_91 = arith.constant 0 : i32
    %dma_wait3A_92 = arith.constant 0 : i32
    %dma_wait3A_93 = tpu.memref_slice %arg9[%dma_wait3A_91, %dma_wait3A_92] : memref<10240x16xf32, #tpu.memory_space<vmem_shared>> -> memref<10240x16xf32, #tpu.memory_space<vmem_shared>>
    tpu.wait_indirect_dma semaphore(%arg10 : memref<!tpu.dma_semaphore, #tpu.memory_space<semaphore_mem>>) src(%dma_wait3A_87 : memref<128x16xf32, #tpu.memory_space<vmem>>) dst(%dma_wait3A_93 : memref<10240x16xf32, #tpu.memory_space<vmem_shared>>)
    %dma_wait3A_94 = arith.constant 0 : i32
    %dma_wait3A_95 = arith.constant 7 : i32
    %dma_wait3A_96 = arith.constant 896 : i32
    %dma_wait3A_97 = arith.constant 0 : i32
    %dma_wait3A_98 = tpu.memref_slice %arg8[%dma_wait3A_94, %dma_wait3A_96, %dma_wait3A_97] : memref<2x1024x16xf32, #tpu.memory_space<vmem>> -> memref<1x128x16xf32, #tpu.memory_space<vmem>>
    %dma_wait3A_99 = tpu.memref_squeeze %dma_wait3A_98 : memref<1x128x16xf32, #tpu.memory_space<vmem>> -> memref<128x16xf32, #tpu.memory_space<vmem>>
    %dma_wait3A_100 = arith.constant 0 : i32
    %dma_wait3A_101 = tpu.memref_slice %arg7[%dma_wait3A_95, %dma_wait3A_100] : memref<80x128xi32, #tpu.memory_space<vmem>> -> memref<1x128xi32, #tpu.memory_space<vmem>>
    %dma_wait3A_102 = tpu.memref_squeeze %dma_wait3A_101 : memref<1x128xi32, #tpu.memory_space<vmem>> -> memref<128xi32, #tpu.memory_space<vmem>>
    %dma_wait3A_103 = arith.constant 0 : i32
    %dma_wait3A_104 = arith.constant 0 : i32
    %dma_wait3A_105 = tpu.memref_slice %arg9[%dma_wait3A_103, %dma_wait3A_104] : memref<10240x16xf32, #tpu.memory_space<vmem_shared>> -> memref<10240x16xf32, #tpu.memory_space<vmem_shared>>
    tpu.wait_indirect_dma semaphore(%arg10 : memref<!tpu.dma_semaphore, #tpu.memory_space<semaphore_mem>>) src(%dma_wait3A_99 : memref<128x16xf32, #tpu.memory_space<vmem>>) dst(%dma_wait3A_105 : memref<10240x16xf32, #tpu.memory_space<vmem_shared>>)
    %dma_wait3A_106 = arith.constant 1 : i32
    %dma_wait3A_107 = arith.constant 0 : i32
    %dma_wait3A_108 = arith.constant 0 : i32
    %dma_wait3A_109 = arith.constant 0 : i32
    %dma_wait3A_110 = tpu.memref_slice %arg8[%dma_wait3A_106, %dma_wait3A_108, %dma_wait3A_109] : memref<2x1024x16xf32, #tpu.memory_space<vmem>> -> memref<1x128x16xf32, #tpu.memory_space<vmem>>
    %dma_wait3A_111 = tpu.memref_squeeze %dma_wait3A_110 : memref<1x128x16xf32, #tpu.memory_space<vmem>> -> memref<128x16xf32, #tpu.memory_space<vmem>>
    %dma_wait3A_112 = arith.constant 0 : i32
    %dma_wait3A_113 = tpu.memref_slice %arg7[%dma_wait3A_107, %dma_wait3A_112] : memref<80x128xi32, #tpu.memory_space<vmem>> -> memref<1x128xi32, #tpu.memory_space<vmem>>
    %dma_wait3A_114 = tpu.memref_squeeze %dma_wait3A_113 : memref<1x128xi32, #tpu.memory_space<vmem>> -> memref<128xi32, #tpu.memory_space<vmem>>
    %dma_wait3A_115 = arith.constant 0 : i32
    %dma_wait3A_116 = arith.constant 0 : i32
    %dma_wait3A_117 = tpu.memref_slice %arg9[%dma_wait3A_115, %dma_wait3A_116] : memref<10240x16xf32, #tpu.memory_space<vmem_shared>> -> memref<10240x16xf32, #tpu.memory_space<vmem_shared>>
    tpu.wait_indirect_dma semaphore(%arg11 : memref<!tpu.dma_semaphore, #tpu.memory_space<semaphore_mem>>) src(%dma_wait3A_111 : memref<128x16xf32, #tpu.memory_space<vmem>>) dst(%dma_wait3A_117 : memref<10240x16xf32, #tpu.memory_space<vmem_shared>>)
    %dma_wait3A_118 = arith.constant 1 : i32
    %dma_wait3A_119 = arith.constant 1 : i32
    %dma_wait3A_120 = arith.constant 128 : i32
    %dma_wait3A_121 = arith.constant 0 : i32
    %dma_wait3A_122 = tpu.memref_slice %arg8[%dma_wait3A_118, %dma_wait3A_120, %dma_wait3A_121] : memref<2x1024x16xf32, #tpu.memory_space<vmem>> -> memref<1x128x16xf32, #tpu.memory_space<vmem>>
    %dma_wait3A_123 = tpu.memref_squeeze %dma_wait3A_122 : memref<1x128x16xf32, #tpu.memory_space<vmem>> -> memref<128x16xf32, #tpu.memory_space<vmem>>
    %dma_wait3A_124 = arith.constant 0 : i32
    %dma_wait3A_125 = tpu.memref_slice %arg7[%dma_wait3A_119, %dma_wait3A_124] : memref<80x128xi32, #tpu.memory_space<vmem>> -> memref<1x128xi32, #tpu.memory_space<vmem>>
    %dma_wait3A_126 = tpu.memref_squeeze %dma_wait3A_125 : memref<1x128xi32, #tpu.memory_space<vmem>> -> memref<128xi32, #tpu.memory_space<vmem>>
    %dma_wait3A_127 = arith.constant 0 : i32
    %dma_wait3A_128 = arith.constant 0 : i32
    %dma_wait3A_129 = tpu.memref_slice %arg9[%dma_wait3A_127, %dma_wait3A_128] : memref<10240x16xf32, #tpu.memory_space<vmem_shared>> -> memref<10240x16xf32, #tpu.memory_space<vmem_shared>>
    tpu.wait_indirect_dma semaphore(%arg11 : memref<!tpu.dma_semaphore, #tpu.memory_space<semaphore_mem>>) src(%dma_wait3A_123 : memref<128x16xf32, #tpu.memory_space<vmem>>) dst(%dma_wait3A_129 : memref<10240x16xf32, #tpu.memory_space<vmem_shared>>)
    %dma_wait3A_130 = arith.constant 1 : i32
    %dma_wait3A_131 = arith.constant 2 : i32
    %dma_wait3A_132 = arith.constant 256 : i32
    %dma_wait3A_133 = arith.constant 0 : i32
    %dma_wait3A_134 = tpu.memref_slice %arg8[%dma_wait3A_130, %dma_wait3A_132, %dma_wait3A_133] : memref<2x1024x16xf32, #tpu.memory_space<vmem>> -> memref<1x128x16xf32, #tpu.memory_space<vmem>>
    %dma_wait3A_135 = tpu.memref_squeeze %dma_wait3A_134 : memref<1x128x16xf32, #tpu.memory_space<vmem>> -> memref<128x16xf32, #tpu.memory_space<vmem>>
    %dma_wait3A_136 = arith.constant 0 : i32
    %dma_wait3A_137 = tpu.memref_slice %arg7[%dma_wait3A_131, %dma_wait3A_136] : memref<80x128xi32, #tpu.memory_space<vmem>> -> memref<1x128xi32, #tpu.memory_space<vmem>>
    %dma_wait3A_138 = tpu.memref_squeeze %dma_wait3A_137 : memref<1x128xi32, #tpu.memory_space<vmem>> -> memref<128xi32, #tpu.memory_space<vmem>>
    %dma_wait3A_139 = arith.constant 0 : i32
    %dma_wait3A_140 = arith.constant 0 : i32
    %dma_wait3A_141 = tpu.memref_slice %arg9[%dma_wait3A_139, %dma_wait3A_140] : memref<10240x16xf32, #tpu.memory_space<vmem_shared>> -> memref<10240x16xf32, #tpu.memory_space<vmem_shared>>
    tpu.wait_indirect_dma semaphore(%arg11 : memref<!tpu.dma_semaphore, #tpu.memory_space<semaphore_mem>>) src(%dma_wait3A_135 : memref<128x16xf32, #tpu.memory_space<vmem>>) dst(%dma_wait3A_141 : memref<10240x16xf32, #tpu.memory_space<vmem_shared>>)
    %dma_wait3A_142 = arith.constant 1 : i32
    %dma_wait3A_143 = arith.constant 3 : i32
    %dma_wait3A_144 = arith.constant 384 : i32
    %dma_wait3A_145 = arith.constant 0 : i32
    %dma_wait3A_146 = tpu.memref_slice %arg8[%dma_wait3A_142, %dma_wait3A_144, %dma_wait3A_145] : memref<2x1024x16xf32, #tpu.memory_space<vmem>> -> memref<1x128x16xf32, #tpu.memory_space<vmem>>
    %dma_wait3A_147 = tpu.memref_squeeze %dma_wait3A_146 : memref<1x128x16xf32, #tpu.memory_space<vmem>> -> memref<128x16xf32, #tpu.memory_space<vmem>>
    %dma_wait3A_148 = arith.constant 0 : i32
    %dma_wait3A_149 = tpu.memref_slice %arg7[%dma_wait3A_143, %dma_wait3A_148] : memref<80x128xi32, #tpu.memory_space<vmem>> -> memref<1x128xi32, #tpu.memory_space<vmem>>
    %dma_wait3A_150 = tpu.memref_squeeze %dma_wait3A_149 : memref<1x128xi32, #tpu.memory_space<vmem>> -> memref<128xi32, #tpu.memory_space<vmem>>
    %dma_wait3A_151 = arith.constant 0 : i32
    %dma_wait3A_152 = arith.constant 0 : i32
    %dma_wait3A_153 = tpu.memref_slice %arg9[%dma_wait3A_151, %dma_wait3A_152] : memref<10240x16xf32, #tpu.memory_space<vmem_shared>> -> memref<10240x16xf32, #tpu.memory_space<vmem_shared>>
    tpu.wait_indirect_dma semaphore(%arg11 : memref<!tpu.dma_semaphore, #tpu.memory_space<semaphore_mem>>) src(%dma_wait3A_147 : memref<128x16xf32, #tpu.memory_space<vmem>>) dst(%dma_wait3A_153 : memref<10240x16xf32, #tpu.memory_space<vmem_shared>>)
    %dma_wait3A_154 = arith.constant 1 : i32
    %dma_wait3A_155 = arith.constant 4 : i32
    %dma_wait3A_156 = arith.constant 512 : i32
    %dma_wait3A_157 = arith.constant 0 : i32
    %dma_wait3A_158 = tpu.memref_slice %arg8[%dma_wait3A_154, %dma_wait3A_156, %dma_wait3A_157] : memref<2x1024x16xf32, #tpu.memory_space<vmem>> -> memref<1x128x16xf32, #tpu.memory_space<vmem>>
    %dma_wait3A_159 = tpu.memref_squeeze %dma_wait3A_158 : memref<1x128x16xf32, #tpu.memory_space<vmem>> -> memref<128x16xf32, #tpu.memory_space<vmem>>
    %dma_wait3A_160 = arith.constant 0 : i32
    %dma_wait3A_161 = tpu.memref_slice %arg7[%dma_wait3A_155, %dma_wait3A_160] : memref<80x128xi32, #tpu.memory_space<vmem>> -> memref<1x128xi32, #tpu.memory_space<vmem>>
    %dma_wait3A_162 = tpu.memref_squeeze %dma_wait3A_161 : memref<1x128xi32, #tpu.memory_space<vmem>> -> memref<128xi32, #tpu.memory_space<vmem>>
    %dma_wait3A_163 = arith.constant 0 : i32
    %dma_wait3A_164 = arith.constant 0 : i32
    %dma_wait3A_165 = tpu.memref_slice %arg9[%dma_wait3A_163, %dma_wait3A_164] : memref<10240x16xf32, #tpu.memory_space<vmem_shared>> -> memref<10240x16xf32, #tpu.memory_space<vmem_shared>>
    tpu.wait_indirect_dma semaphore(%arg11 : memref<!tpu.dma_semaphore, #tpu.memory_space<semaphore_mem>>) src(%dma_wait3A_159 : memref<128x16xf32, #tpu.memory_space<vmem>>) dst(%dma_wait3A_165 : memref<10240x16xf32, #tpu.memory_space<vmem_shared>>)
    %dma_wait3A_166 = arith.constant 1 : i32
    %dma_wait3A_167 = arith.constant 5 : i32
    %dma_wait3A_168 = arith.constant 640 : i32
    %dma_wait3A_169 = arith.constant 0 : i32
    %dma_wait3A_170 = tpu.memref_slice %arg8[%dma_wait3A_166, %dma_wait3A_168, %dma_wait3A_169] : memref<2x1024x16xf32, #tpu.memory_space<vmem>> -> memref<1x128x16xf32, #tpu.memory_space<vmem>>
    %dma_wait3A_171 = tpu.memref_squeeze %dma_wait3A_170 : memref<1x128x16xf32, #tpu.memory_space<vmem>> -> memref<128x16xf32, #tpu.memory_space<vmem>>
    %dma_wait3A_172 = arith.constant 0 : i32
    %dma_wait3A_173 = tpu.memref_slice %arg7[%dma_wait3A_167, %dma_wait3A_172] : memref<80x128xi32, #tpu.memory_space<vmem>> -> memref<1x128xi32, #tpu.memory_space<vmem>>
    %dma_wait3A_174 = tpu.memref_squeeze %dma_wait3A_173 : memref<1x128xi32, #tpu.memory_space<vmem>> -> memref<128xi32, #tpu.memory_space<vmem>>
    %dma_wait3A_175 = arith.constant 0 : i32
    %dma_wait3A_176 = arith.constant 0 : i32
    %dma_wait3A_177 = tpu.memref_slice %arg9[%dma_wait3A_175, %dma_wait3A_176] : memref<10240x16xf32, #tpu.memory_space<vmem_shared>> -> memref<10240x16xf32, #tpu.memory_space<vmem_shared>>
    tpu.wait_indirect_dma semaphore(%arg11 : memref<!tpu.dma_semaphore, #tpu.memory_space<semaphore_mem>>) src(%dma_wait3A_171 : memref<128x16xf32, #tpu.memory_space<vmem>>) dst(%dma_wait3A_177 : memref<10240x16xf32, #tpu.memory_space<vmem_shared>>)
    %dma_wait3A_178 = arith.constant 1 : i32
    %dma_wait3A_179 = arith.constant 6 : i32
    %dma_wait3A_180 = arith.constant 768 : i32
    %dma_wait3A_181 = arith.constant 0 : i32
    %dma_wait3A_182 = tpu.memref_slice %arg8[%dma_wait3A_178, %dma_wait3A_180, %dma_wait3A_181] : memref<2x1024x16xf32, #tpu.memory_space<vmem>> -> memref<1x128x16xf32, #tpu.memory_space<vmem>>
    %dma_wait3A_183 = tpu.memref_squeeze %dma_wait3A_182 : memref<1x128x16xf32, #tpu.memory_space<vmem>> -> memref<128x16xf32, #tpu.memory_space<vmem>>
    %dma_wait3A_184 = arith.constant 0 : i32
    %dma_wait3A_185 = tpu.memref_slice %arg7[%dma_wait3A_179, %dma_wait3A_184] : memref<80x128xi32, #tpu.memory_space<vmem>> -> memref<1x128xi32, #tpu.memory_space<vmem>>
    %dma_wait3A_186 = tpu.memref_squeeze %dma_wait3A_185 : memref<1x128xi32, #tpu.memory_space<vmem>> -> memref<128xi32, #tpu.memory_space<vmem>>
    %dma_wait3A_187 = arith.constant 0 : i32
    %dma_wait3A_188 = arith.constant 0 : i32
    %dma_wait3A_189 = tpu.memref_slice %arg9[%dma_wait3A_187, %dma_wait3A_188] : memref<10240x16xf32, #tpu.memory_space<vmem_shared>> -> memref<10240x16xf32, #tpu.memory_space<vmem_shared>>
    tpu.wait_indirect_dma semaphore(%arg11 : memref<!tpu.dma_semaphore, #tpu.memory_space<semaphore_mem>>) src(%dma_wait3A_183 : memref<128x16xf32, #tpu.memory_space<vmem>>) dst(%dma_wait3A_189 : memref<10240x16xf32, #tpu.memory_space<vmem_shared>>)
    %dma_wait3A_190 = arith.constant 1 : i32
    %dma_wait3A_191 = arith.constant 7 : i32
    %dma_wait3A_192 = arith.constant 896 : i32
    %dma_wait3A_193 = arith.constant 0 : i32
    %dma_wait3A_194 = tpu.memref_slice %arg8[%dma_wait3A_190, %dma_wait3A_192, %dma_wait3A_193] : memref<2x1024x16xf32, #tpu.memory_space<vmem>> -> memref<1x128x16xf32, #tpu.memory_space<vmem>>
    %dma_wait3A_195 = tpu.memref_squeeze %dma_wait3A_194 : memref<1x128x16xf32, #tpu.memory_space<vmem>> -> memref<128x16xf32, #tpu.memory_space<vmem>>
    %dma_wait3A_196 = arith.constant 0 : i32
    %dma_wait3A_197 = tpu.memref_slice %arg7[%dma_wait3A_191, %dma_wait3A_196] : memref<80x128xi32, #tpu.memory_space<vmem>> -> memref<1x128xi32, #tpu.memory_space<vmem>>
    %dma_wait3A_198 = tpu.memref_squeeze %dma_wait3A_197 : memref<1x128xi32, #tpu.memory_space<vmem>> -> memref<128xi32, #tpu.memory_space<vmem>>
    %dma_wait3A_199 = arith.constant 0 : i32
    %dma_wait3A_200 = arith.constant 0 : i32
    %dma_wait3A_201 = tpu.memref_slice %arg9[%dma_wait3A_199, %dma_wait3A_200] : memref<10240x16xf32, #tpu.memory_space<vmem_shared>> -> memref<10240x16xf32, #tpu.memory_space<vmem_shared>>
    tpu.wait_indirect_dma semaphore(%arg11 : memref<!tpu.dma_semaphore, #tpu.memory_space<semaphore_mem>>) src(%dma_wait3A_195 : memref<128x16xf32, #tpu.memory_space<vmem>>) dst(%dma_wait3A_201 : memref<10240x16xf32, #tpu.memory_space<vmem_shared>>)
    %barrier3A_202 = arith.constant 0 : index
    tpu.barrier barrier_id(%barrier3A_202)
    %mul3A_203 = arith.constant 640 : i32
    %mul3A_204 = arith.muli %arg1, %mul3A_203 : i32
    %mul3A_205 = arith.constant 640 : i32
    %mul3A_206 = arith.muli %arg1, %mul3A_205 : i32
    "tpu.region"() ({
      %run_scoped3A = tpu.sem_alloc : memref<!tpu.dma_semaphore, #tpu.memory_space<semaphore_mem>>
      %dma_start3A = arith.constant 0 : i32
      %dma_start3A_207 = tpu.memref_slice %arg5[%arg0, %mul3A_206, %dma_start3A] : memref<2x10240x16xf32, #tpu.memory_space<hbm>> -> memref<1x640x16xf32, #tpu.memory_space<hbm>>
      %dma_start3A_208 = tpu.memref_squeeze %dma_start3A_207 : memref<1x640x16xf32, #tpu.memory_space<hbm>> -> memref<640x16xf32, #tpu.memory_space<hbm>>
      %dma_start3A_209 = arith.constant 0 : i32
      %dma_start3A_210 = tpu.memref_slice %arg9[%mul3A_204, %dma_start3A_209] : memref<10240x16xf32, #tpu.memory_space<vmem_shared>> -> memref<640x16xf32, #tpu.memory_space<vmem_shared>>
      tpu.enqueue_dma source(%dma_start3A_210 : memref<640x16xf32, #tpu.memory_space<vmem_shared>>) target(%dma_start3A_208 : memref<640x16xf32, #tpu.memory_space<hbm>>) target_semaphore(%run_scoped3A : memref<!tpu.dma_semaphore, #tpu.memory_space<semaphore_mem>>)
      %dma_wait3A_211 = arith.constant 0 : i32
      %dma_wait3A_212 = tpu.memref_slice %arg5[%arg0, %mul3A_206, %dma_wait3A_211] : memref<2x10240x16xf32, #tpu.memory_space<hbm>> -> memref<1x640x16xf32, #tpu.memory_space<hbm>>
      %dma_wait3A_213 = tpu.memref_squeeze %dma_wait3A_212 : memref<1x640x16xf32, #tpu.memory_space<hbm>> -> memref<640x16xf32, #tpu.memory_space<hbm>>
      %dma_wait3A_214 = arith.constant 0 : i32
      %dma_wait3A_215 = tpu.memref_slice %arg9[%mul3A_204, %dma_wait3A_214] : memref<10240x16xf32, #tpu.memory_space<vmem_shared>> -> memref<640x16xf32, #tpu.memory_space<vmem_shared>>
      tpu.wait_dma2 semaphore(%run_scoped3A : memref<!tpu.dma_semaphore, #tpu.memory_space<semaphore_mem>>) src(%dma_wait3A_215 : memref<640x16xf32, #tpu.memory_space<vmem_shared>>) dst(%dma_wait3A_213 : memref<640x16xf32, #tpu.memory_space<hbm>>)
      tpu.yield
    }) : () -> ()
    return
  }
}

</mosaic_0001>

<sc_bundles>
// kernel: _deg_call.3.cloned.1.call-start
scs
__scs_entry_jumppad:
0x0: {  	(pc) =	sbr.rel $0x88, $3  }
0x1: {  	(tag) =	ssettag $0x0;
	lr =	simm.s32 $0x1  }
0x2: {  	[smem:$0x3F9E] =	sst lr;
	_ =	strace $0xD0000000  }
0x3: {  	_ = 	snop  }
0x4: {  	_ = 	snop  }
0x5: {  	_ = 	snop  }
0x6: {  	_ = 	snop  }
0x7: {  	_ = 	snop  }
__scs_overlays_trampoline_lowered:
0x8: {  	[smem:$0x3FAD] =	sst s0  }
0x9: {  	[smem:$0x3FAE] =	sst s1  }
0xa: {  	[smem:$0x3FAF] =	sst s2  }
0xb: {  	[smem:$0x3FB0] =	sst s3  }
0xc: {  	[smem:$0x3FB1] =	sst s4  }
0xd: {  	[smem:$0x3FB2] =	sst s5  }
0xe: {  	[smem:$0x3FB3] =	sst s6  }
0xf: {  	[smem:$0x3FB4] =	sst s7  }
0x10: {  	[smem:$0x3FB5] =	sst s8  }
0x11: {  	[smem:$0x3FB6] =	sst s9;
	s0 =	simm.s32 @!p0 $0x0  }
0x12: {  	s1 =	sld [smem:$0x3F9C];
	s0 =	simm.s32 @p0 $0x1  }
0x13: {  	[smem:$0x3FB7] =	sst s0;
	s0 =	simm.s32 @!p1 $0x0  }
0x14: {  	s2 =	sld [smem:$0x3F9B];
	s0 =	simm.s32 @p1 $0x1  }
0x15: {  	[smem:$0x3FB8] =	sst s0;
	s0 =	simm.s32 @!p2 $0x0  }
0x16: {  	s3 =	sld [smem:$0x3FDB];
	s0 =	simm.s32 @p2 $0x1  }
0x17: {  	s4 =	simm.s32 $0x1BF5;
	[smem:$0x3FBA] =	sst s0  }
0x18: {  	s0 =	sld [smem:$0x3F9D];
	_ =	swait.ge [sflag:s4], $0x0  }
0x19: {  	s7 =	sld [smem:$0x3F9E]  }
0x1a: {  	s8 =	sadd.s32 $0xFFFFE003, lr  }
0x1b: {  	s9 =	sadd.s32 $0xFFFFFEF7, lr;
	s5 =	simm.s32 $0xFFFFFFFF;
	p2 =	slt.u32 s8, $0xFFFFF086  }
0x1c: {  	p1 =	slt.u32 s9, $0xF7A;
	s5 =	simm.s32 @!p2 $0x0  }
0x1d: {  	s5 =	simm.s32 @p1 $0x1;
	p0 =	seq.s32 s7, s2  }
0x1e: {  	s7 =	smul.u32 @!p0 $0xF7A, s2;
	p2 =	seq.s32 @!p0 s5, $0x0  }
0x1f: {  	s9 =	smul.u32 $0xF7A, s1;
	s8 =	simm.s32 @!p0 $0x1BF5;
	p2 =	por !p2, p0  }
0x20: {  	[sflag:s8] =	ssyncset.s32 @!p0 $0xFFFFF086;
	s6 =	sadd.s32 @!p0 s3, s7;
	s7 =	simm.s32 @!p0 $0x108  }
0x21: {  	s3 =	sadd.s32 s3, s9;
	s6 =	sadd.s32 @!p0 $0x88, s6;
	s7 =	simm.s32 @p2 $0x1082  }
0x22: {  	[simem:s7], [sflag:s8] =	dma.local @!p0 [hbm:s6], $0xF7A  }
0x23: {  	s9 =	sor.u32 $0xD0000000, s2;
	s6 =	simm.s32 $0x108;
	_ =	swait.ge @!p0 [sflag:s8], $0x0  }
0x24: {  	s3 =	sadd.s32 $0x88, s3;
	s6 =	simm.s32 @!p1 $0x1082;
	[sflag:s4] =	ssyncset.s32 $0xFFFFF086  }
0x25: {  	[simem:s6], [sflag:s4] =	dma.local [hbm:s3], $0xF7A  }
0x26: {  	[smem:$0x3F9E] =	sst s1;
	(tag) =	ssettag s2;
	_ =	strace s9  }
0x27: {  	s1 =	sld [smem:$0x3FAE]  }
0x28: {  	s2 =	sld [smem:$0x3FAF]  }
0x29: {  	s4 =	sld [smem:$0x3FB1]  }
0x2a: {  	p0 =	seq.s32 s5, $0x0;
	s5 =	sld [smem:$0x3FB2]  }
0x2b: {  	s6 =	sld [smem:$0x3FB3]  }
0x2c: {  	s7 =	sld [smem:$0x3FB4]  }
0x2d: {  	s3 =	simm.s32 $0x108;
	s8 =	sld [smem:$0x3FB5]  }
0x2e: {  	s3 =	simm.s32 @!p0 $0x1082;
	s9 =	sld [smem:$0x3FB6]  }
0x2f: {  	lr =	sadd.s32 s0, s3;
	s0 =	sld [smem:$0x3FAD]  }
0x30: {  	s3 =	sld [smem:$0x3FB0]  }
0x31: {  	[smem:$0x3FB9] =	sst s10  }
0x32: {  	s10 =	sld [smem:$0x3FB7];
	_ =	sdelay $0x3  }
0x33: {  	p0 =	seq.s32 s10, $0x1;
	s10 =	sld [smem:$0x3FB9];
	_ =	sdelay $0x3  }
0x34: {  	[smem:$0x3FB9] =	sst s10  }
0x35: {  	s10 =	sld [smem:$0x3FB8];
	_ =	sdelay $0x3  }
0x36: {  	p1 =	seq.s32 s10, $0x1;
	s10 =	sld [smem:$0x3FB9];
	_ =	sdelay $0x3  }
0x37: {  	[smem:$0x3FB9] =	sst s10  }
0x38: {  	s10 =	sld [smem:$0x3FBA]  }
0x39: {  	_ = 	snop;
	(pc) =	sbr.ind lr, $3  }
0x3a: {  	_ = 	snop  }
0x3b: {  	_ = 	snop  }
0x3c: {  	p2 =	seq.s32 s10, $0x1;
	s10 =	sld [smem:$0x3FB9]  }
0x3d: {  	_ =	shalt  }
0x3e: {  	_ =	shalt  }
0x3f: {  	_ =	shalt  }
0x40: {  	_ =	shalt  }
0x41: {  	_ =	shalt  }
0x42: {  	_ =	shalt  }
0x43: {  	_ =	shalt  }
0x44: {  	_ =	shalt  }
0x45: {  	_ =	shalt  }
0x46: {  	_ =	shalt  }
0x47: {  	_ =	shalt  }
0x48: {  	_ =	shalt  }
0x49: {  	_ =	shalt  }
0x4a: {  	_ =	shalt  }
0x4b: {  	_ =	shalt  }
0x4c: {  	_ =	shalt  }
0x4d: {  	_ =	shalt  }
0x4e: {  	_ =	shalt  }
0x4f: {  	_ =	shalt  }
0x50: {  	_ =	shalt  }
0x51: {  	_ =	shalt  }
0x52: {  	_ =	shalt  }
0x53: {  	_ =	shalt  }
0x54: {  	_ =	shalt  }
0x55: {  	_ =	shalt  }
0x56: {  	_ =	shalt  }
0x57: {  	_ =	shalt  }
0x58: {  	_ =	shalt  }
0x59: {  	_ =	shalt  }
0x5a: {  	_ =	shalt  }
0x5b: {  	_ =	shalt  }
0x5c: {  	_ =	shalt  }
0x5d: {  	_ =	shalt  }
0x5e: {  	_ =	shalt  }
0x5f: {  	_ =	shalt  }
0x60: {  	_ =	shalt  }
0x61: {  	_ =	shalt  }
0x62: {  	_ =	shalt  }
0x63: {  	_ =	shalt  }
0x64: {  	_ =	shalt  }
0x65: {  	_ =	shalt  }
0x66: {  	_ =	shalt  }
0x67: {  	_ =	shalt  }
0x68: {  	_ =	shalt  }
0x69: {  	_ =	shalt  }
0x6a: {  	_ =	shalt  }
0x6b: {  	_ =	shalt  }
0x6c: {  	_ =	shalt  }
0x6d: {  	_ =	shalt  }
0x6e: {  	_ =	shalt  }
0x6f: {  	_ =	shalt  }
0x70: {  	_ =	shalt  }
0x71: {  	_ =	shalt  }
0x72: {  	_ =	shalt  }
0x73: {  	_ =	shalt  }
0x74: {  	_ =	shalt  }
0x75: {  	_ =	shalt  }
0x76: {  	_ =	shalt  }
0x77: {  	_ =	shalt  }
0x78: {  	_ =	shalt  }
0x79: {  	_ =	shalt  }
0x7a: {  	_ =	shalt  }
0x7b: {  	_ =	shalt  }
0x7c: {  	_ =	shalt  }
0x7d: {  	_ =	shalt  }
0x7e: {  	_ =	shalt  }
0x7f: {  	_ =	shalt  }
0x80: {  	_ =	shalt  }
0x81: {  	_ =	shalt  }
0x82: {  	_ =	shalt  }
0x83: {  	_ =	shalt  }
0x84: {  	_ =	shalt  }
0x85: {  	_ =	shalt  }
0x86: {  	_ =	shalt  }
0x87: {  	_ =	shalt  }
.Lfunc_end0:
.L_simem_size_0:
called_computation_lowered:
.L_overlay_start_0:
0x88: {  	s2 =	sld [smem:$0x3FD9]  }
0x89: {  	s3 =	sld [smem:$0x3FFE];
	_ =	sdelay $0x1  }
0x8a: {  	s1 =	srdreg.scid  }
0x8b: {  	s0 =	sand.u32 $0x1, s1  }
0x8c: {  	s17 =	sshll.u32 s0, $0xA;
	s2 =	sadd.s32 s3, s2  }
0x8d: {  	s2 =	sadd.s32 s2, s17  }
0x8e: {  	[smem:$0x3FC5] =	sst s2  }
0x8f: {  	_ = 	snop  }
0x90: {  	s2 =	sld [smem:$0x3FC8]  }
0x91: {  	s18 =	sld [smem:$0x3FD0];
	(tm) =	ssettm $0x1  }
0x92: {  	s4 =	sld [smem:$0x3FFB];
	_ =	sdelay $0x3  }
0x93: {  	_ =	strace s4  }
0x94: {  	s4 =	sld [smem:$0x3FFC];
	_ =	sdelay $0x3  }
0x95: {  	_ =	strace s4  }
0x96: {  	s4 =	sld [smem:$0x3FFD];
	_ =	sdelay $0x3  }
0x97: {  	_ =	strace s4  }
0x98: {  	_ =	strace $0x8FFFFFFF  }
0x99: {  	s19 =	sld [smem:$0x3FDB];
	_ =	sdelay $0x1  }
0x9a: {  	s5 =	simm.s32 $_scs_section_size  }
0x9b: {  	s6 =	simm.s32 $_size__tile_overlayer_lowered;
	s7 =	simm.s32 $_tile_overlayer_lowered  }
0x9c: {  	s22 =	simm.s32 $0x1BFF;
	s21 =	sshll.u32 s7, $0x1;
	s4 =	sadd.s32 s5, s19  }
0x9d: {  	s8 =	simm.s32 $0x0;
	s20 =	sshll.u32 s6, $0x1;
	s6 =	sadd.s32 s21, s4  }
0x9e: {  	[timem:s8], [sflag:s22] =	dma.local [hbm:s6], s20  }
0x9f: {  	_ =	swait.ge [sflag:s22], s20  }
0xa0: {  	s5 =	ssub.s32 $0x0, s20;
	[sflag:s22] =	ssyncset.done $0x0  }
0xa1: {  	[sflag:s22] =	ssyncadd.s32 s5;
	_ =	sdelay $0x1  }
0xa2: {  	s23 =	simm.s32 $0x1B8B  }
0xa3: {  	_ =	swait.ge [sflag:s23], $0x1  }
0xa4: {  	[sflag:s23] =	ssyncset.done $0x0  }
0xa5: {  	s25 =	simm.s32 $0x1B8E;
	s24 =	sld [smem:$0x3FFE];
	[sflag:s23] =	ssyncadd.s32 $0xFFFFFFFF  }
0xa6: {  	s26 =	simm.s32 $execute0_lowered;
	[smem:$0x3FD2] =	sst s25  }
0xa7: {  	s6 =	sshll.u32 s26, $0x1;
	_ =	strace $0x80000046;
	[dreg:$0x1] =	wrdreg $0xFFFFFFFF  }
0xa8: {  	s28 =	simm.s32 $_size_execute0_lowered;
	s4 =	sadd.s32 s4, s6;
	[dreg:$0x0] =	wrdreg $0x0  }
0xa9: {  	s6 =	sshll.u32 s28, $0x1;
	[dreg:$0x2] =	wrdreg s4  }
0xaa: {  	[dreg:$0x3] =	wrdreg s6  }
0xab: {  	[dreg:$0x4] =	wrdreg $0xC0  }
0xac: {  	_ =	task [dreg:s8], $0x5FFFF  }
0xad: {  	[dreg:$0x1] =	wrdreg $0xFFFFFFFF  }
0xae: {  	[dreg:$0x0] =	wrdreg $0x60  }
0xaf: {  	[dreg:$0x2] =	wrdreg s18  }
0xb0: {  	[dreg:$0x3] =	wrdreg s2  }
0xb1: {  	[dreg:$0x4] =	wrdreg s24  }
0xb2: {  	[dreg:$0x5] =	wrdreg $0xD0000  }
0xb3: {  	[dreg:$0x6] =	wrdreg $0x9  }
0xb4: {  	_ =	task.clear_ibuf [dreg:s8], $0x7FFFF;
	_ =	strace $0x90000046  }
0xb5: {  	s29 =	simm.s32 $0x9;
	_ =	strace $0x80000048  }
0xb6: {  	_ =	swait.ge [sflag:s29], $0x1  }
0xb7: {  	[sflag:s29] =	ssyncadd.s32 $0xFFFFFFFF  }
0xb8: {  	_ =	strace $0x90000048  }
0xb9: {  	_ =	sfence  }
0xba: {  	s30 =	sld [smem:$0x0];
	_ =	sdelay $0x2  }
0xbb: {  	s31 =	sshll.u32 s1, $0xD;
	s1 =	sshrl.u32 s1, $0x2  }
0xbc: {  	s3 =	sand.u32 $0x4000, s31;
	s1 =	sadd.s32 s1, s30  }
0xbd: {  	s0 =	sor.u32 s3, s0;
	s1 =	sshll.u32 s1, $0x11  }
0xbe: {  	s0 =	sor.u32 s1, s0  }
0xbf: {  	s0 =	sadd.s32 $0x8F2B, s0  }
0xc0: {  	[sflag:s0] =	ssyncadd.remote.s32 $0x1  }
0xc1: {  	_ =	sfence.sel $0xFFFF  }
0xc2: {  	[dreg:$0x0] =	wrdreg $0xFFFFFFFF;
	(pc) =	sbr.abs _section_cstart, $3  }
0xc3: {  	[dreg:$0x1] =	wrdreg $0xFFFFFFFF  }
0xc4: {  	_ =	task.clear_ibuf [dreg:s8], $0x2FFFF;
	_ =	strace $0x9FFFFFFF  }
0xc5: {  	(tm) =	ssettm $0x7FFFFFFF  }
tec
execute0_lowered:
.L_overlay_start_1:
0x0: {  	(tag) =	ssettag $0x1  }
0x1: {  	s0 =	rddreg [dreg:$0x0]  }
0x2: {  	s1 =	rddreg [dreg:$0x1]  }
0x3: {  	s3 =	rddreg [dreg:$0x2]  }
0x4: {  	s4 =	srdreg.scid;
	s8 =	stileid.u32  }
0x5: {  	s2 =	rddreg [dreg:$0x3];
	s7 =	simm.s32 $0x0;
	s11 =	simm.s32 $0x3  }
0x6: {  	s13 =	simm.s32 $0x80;
	s14 =	simm.s32 $0x5000;
	s15 =	simm.s32 $0x5800  }
0x7: {  	s16 =	simm.s32 $0x6000;
	s17 =	simm.s32 $0x6800;
	s18 =	simm.s32 $0x7000  }
0x8: {  	s28 =	simm.s32 $0xB800;
	s29 =	simm.s32 $0xC000;
	s30 =	simm.s32 $0xC800  }
0x9: {  	s31 =	simm.s32 $0x1;
	s4 =	sand.u32 $0x1, s4;
	s5 =	smul.u32 $0x2800, s8  }
0xa: {  	[smem:$0x7FF] =	sst s7;
	s19 =	sadd.s32 $0x400, s3;
	s20 =	sshll.u32 s8, $0x1  }
0xb: {  	s8 =	sshll.u32 s8, $0x6;
	s6 =	smul.u32 $0x28000, s4;
	_ =	strace $0x80000047  }
0xc: {  	[dreg:$0x5] =	wrdreg s19;
	s21 =	ssub.s32 $0x2, s4;
	s4 =	sor.u32 s4, s20  }
0xd: {  	s19 =	simm.s32 $0x7800;
	s20 =	simm.s32 $0x8000;
	s22 =	sshrl.u32 s21, $0x1  }
0xe: {  	s4 =	smul.u32 $0x500, s4;
	s23 =	sadd.s32 s5, s2;
	s6 =	sadd.s32 s5, s6  }
0xf: {  	s5 =	sor.u32 $0x1C03, s8;
	s10 =	sshrl.u32 s23, $0x3;
	s23 =	simm.s32 $0x9800  }
0x10: {  	v0 =	vimm.s32 $0x0;
	vm0 =	vmmov $0x1;
	s6 =	sshrl.u32 s6, $0x3;
	s0 =	sadd.s32 s0, s4;
	s24 =	sadd.s32 s1, s4  }
0x11: {  	v1 =	vimm.s32 $0x1;
	v2 =	vimm.s32 $0x2;
	v3 =	vimm.s32 $0x3;
	s1 =	simm.s32 $0x2;
	s3 =	sadd.s32 s6, s3;
	[dreg:$0x6] =	wrdreg s0  }
0x12: {  	v4 =	vimm.s32 $0x4;
	v5 =	vimm.s32 $0x5;
	v6 =	vimm.s32 $0x6;
	s6 =	ssub.s32 s21, s22;
	[dreg:$0x7] =	wrdreg s24;
	s21 =	simm.s32 $0x8800  }
0x13: {  	v7 =	vimm.s32 $0x7;
	v8 =	vimm.s32 $0x8;
	v9 =	vimm.s32 $0x9;
	s22 =	simm.s32 $0x9000;
	s24 =	simm.s32 $0xA000;
	s25 =	sadd.s32 $0xA00, s3  }
0x14: {  	v10 =	vimm.s32 $0xA;
	v11 =	vimm.s32 $0xB;
	v12 =	vimm.s32 $0xC;
	s0 =	simm.s32 $0x0;
	s26 =	smax.u32 s6, $0x1;
	[dreg:$0x8] =	wrdreg s25  }
0x15: {  	v13 =	vimm.s32 $0xD;
	v14 =	vimm.s32 $0xE;
	v15 =	vimm.s32 $0xF;
	[dreg:$0x9] =	wrdreg s26;
	s25 =	simm.s32 $0xA800;
	s26 =	simm.s32 $0xB000  }
.LBB2_1:
0x16: {  	s3 =	rddreg [dreg:$0x5]  }
0x17: {  	[spmem:s10], [sflag:s5] =	dma.local [hbm:s3], $0x500  }
0x18: {  	_ =	swait.ge [sflag:s11], $0x500  }
0x19: {  	[sflag:s11] =	ssyncset.done $0x0  }
0x1a: {  	s9 =	simm.s32 $0x0;
	s4 =	rddreg [dreg:$0x6];
	[sflag:s11] =	ssyncadd.s32 $0xFFFFFB00  }
0x1b: {  	[tilespmem:s9], [sflag:$0x3] =	stream.linear.gather [hbm4b:s4+s9], $0x2800, $0x38;
	[tilespmem:$0xF800] =	vst v63  }
0x1c: {  	_ =	swait.ge [sflag:s11], $0x2800  }
0x1d: {  	[sflag:s11] =	ssyncset.done $0x0  }
0x1e: {  	s6 =	simm.s32 $0x2800;
	s12 =	rddreg [dreg:$0x7];
	[sflag:s11] =	ssyncadd.s32 $0xFFFFD800  }
0x1f: {  	[tilespmem:s6], [sflag:$0x3] =	stream.linear.gather [hbm4b:s12+s9], $0x2800, $0x38;
	[tilespmem:$0xF800] =	vst v63  }
0x20: {  	_ =	swait.ge [sflag:s11], $0x2800  }
0x21: {  	[sflag:s11] =	ssyncset.done $0x0  }
0x22: {  	s3 =	simm.s32 $0x410;
	[sflag:s11] =	ssyncadd.s32 $0xFFFFD800  }
0x23: {  	s4 =	simm.s32 $0x0;
	s12 =	simm.s32 $0x10;
	[bflag:$0x0] =	sbarrier.arrive $0xFFFF  }
.LBB2_2:
0x24: {  	p0 =	seq.s32 s4, $0x0  }
0x25: {  	s6 =	simm.s32 @!p0 $0x1  }
0x26: {  	_ =	swait.ge @!p0 [sflag:s6], $0x800  }
0x27: {  	[sflag:s6] =	ssyncset.done @!p0 $0x0  }
0x28: {  	[sflag:s6] =	ssyncadd.s32 @!p0 $0xFFFFF800  }
0x29: {  	_ =	swait.ge @!p0 [sflag:s6], $0x800  }
0x2a: {  	[sflag:s6] =	ssyncset.done @!p0 $0x0  }
0x2b: {  	[sflag:s6] =	ssyncadd.s32 @!p0 $0xFFFFF800  }
0x2c: {  	_ =	swait.ge @!p0 [sflag:s6], $0x800  }
0x2d: {  	[sflag:s6] =	ssyncset.done @!p0 $0x0  }
0x2e: {  	[sflag:s6] =	ssyncadd.s32 @!p0 $0xFFFFF800  }
0x2f: {  	_ =	swait.ge @!p0 [sflag:s6], $0x800  }
0x30: {  	[sflag:s6] =	ssyncset.done @!p0 $0x0  }
0x31: {  	[sflag:s6] =	ssyncadd.s32 @!p0 $0xFFFFF800  }
0x32: {  	_ =	swait.ge @!p0 [sflag:s6], $0x800  }
0x33: {  	[sflag:s6] =	ssyncset.done @!p0 $0x0  }
0x34: {  	[sflag:s6] =	ssyncadd.s32 @!p0 $0xFFFFF800  }
0x35: {  	_ =	swait.ge @!p0 [sflag:s6], $0x800  }
0x36: {  	[sflag:s6] =	ssyncset.done @!p0 $0x0  }
0x37: {  	[sflag:s6] =	ssyncadd.s32 @!p0 $0xFFFFF800  }
0x38: {  	_ =	swait.ge @!p0 [sflag:s6], $0x800  }
0x39: {  	[sflag:s6] =	ssyncset.done @!p0 $0x0  }
0x3a: {  	[sflag:s6] =	ssyncadd.s32 @!p0 $0xFFFFF800  }
0x3b: {  	_ =	swait.ge @!p0 [sflag:s6], $0x800  }
0x3c: {  	[sflag:s6] =	ssyncset.done @!p0 $0x0  }
0x3d: {  	[sflag:s6] =	ssyncadd.s32 @!p0 $0xFFFFF800  }
0x3e: {  	v16 =	vld [tilespmem:s12+$0x0]  }
0x3f: {  	v17 =	vld [tilespmem:s12+$0xFFFFFFF0];
	_ =	sdelay $0x3  }
0x40: {  	v18 =	vperm.xlane v16, v15  }
0x41: {  	v19 =	vperm.xlane v17, v0  }
0x42: {  	s7 =	simm.s32 $0x5100;
	v22 =	vperm.xlane v17, v14;
	v18 =	vnsel vm0, $0x0, v18  }
0x43: {  	v24 =	vperm.xlane v16, v5;
	v19 =	vnsel vm0, $0x0, v19;
	[tilespmem:s7+$0xF0] =	vst v18  }
0x44: {  	v20 =	vperm.xlane v17, v1;
	v22 =	vnsel vm0, $0x0, v22;
	[tilespmem:s7+$0xFFFFFF00] =	vst v19  }
0x45: {  	v21 =	vperm.xlane v17, v2;
	v24 =	vnsel vm0, $0x0, v24;
	[tilespmem:s7+$0xFFFFFFE0] =	vst v22  }
0x46: {  	v18 =	vperm.xlane v17, v3;
	v19 =	vnsel vm0, $0x0, v20;
	[tilespmem:s7+$0x50] =	vst v24  }
0x47: {  	v22 =	vperm.xlane v16, v6;
	[tilespmem:s7+$0xFFFFFF10] =	vst v19;
	v19 =	vnsel vm0, $0x0, v21  }
0x48: {  	v20 =	vperm.xlane v17, v4;
	[tilespmem:s7+$0xFFFFFF20] =	vst v19;
	v18 =	vnsel vm0, $0x0, v18  }
0x49: {  	v21 =	vperm.xlane v17, v5;
	v31 =	vnsel vm0, $0x0, v22;
	[tilespmem:s7+$0xFFFFFF30] =	vst v18  }
0x4a: {  	v19 =	vperm.xlane v17, v6;
	v18 =	vnsel vm0, $0x0, v20;
	[tilespmem:s7+$0x60] =	vst v31  }
0x4b: {  	v20 =	vperm.xlane v17, v7;
	[tilespmem:s7+$0xFFFFFF40] =	vst v18;
	v18 =	vnsel vm0, $0x0, v21  }
0x4c: {  	v21 =	vperm.xlane v17, v8;
	[tilespmem:s7+$0xFFFFFF50] =	vst v18;
	v18 =	vnsel vm0, $0x0, v19  }
0x4d: {  	v19 =	vperm.xlane v17, v9;
	[tilespmem:s7+$0xFFFFFF60] =	vst v18;
	v18 =	vnsel vm0, $0x0, v20  }
0x4e: {  	v20 =	vperm.xlane v17, v10;
	[tilespmem:s7+$0xFFFFFF70] =	vst v18;
	v18 =	vnsel vm0, $0x0, v21  }
0x4f: {  	v23 =	vperm.xlane v16, v3;
	v21 =	vperm.xlane v17, v11;
	[tilespmem:s7+$0xFFFFFF80] =	vst v18;
	v18 =	vnsel vm0, $0x0, v19  }
0x50: {  	v25 =	vperm.xlane v16, v7;
	v19 =	vperm.xlane v17, v12;
	[tilespmem:s7+$0xFFFFFF90] =	vst v18;
	v18 =	vnsel vm0, $0x0, v20  }
0x51: {  	v20 =	vperm.xlane v17, v13;
	v17 =	vperm.xlane v17, v15;
	[tilespmem:s7+$0xFFFFFFA0] =	vst v18;
	v18 =	vnsel vm0, $0x0, v21  }
0x52: {  	v26 =	vperm.xlane v16, v9;
	v27 =	vperm.xlane v16, v10;
	[tilespmem:s7+$0xFFFFFFB0] =	vst v18;
	v18 =	vnsel vm0, $0x0, v19  }
0x53: {  	v28 =	vperm.xlane v16, v11;
	v21 =	vperm.xlane v16, v0;
	v17 =	vnsel vm0, $0x0, v17;
	[tilespmem:s7+$0xFFFFFFC0] =	vst v18  }
0x54: {  	v29 =	vperm.xlane v16, v12;
	v19 =	vperm.xlane v16, v1;
	v18 =	vnsel vm0, $0x0, v20;
	[tilespmem:s7+$0xFFFFFFF0] =	vst v17  }
0x55: {  	v30 =	vperm.xlane v16, v13;
	v20 =	vperm.xlane v16, v2;
	v21 =	vnsel vm0, $0x0, v21;
	[tilespmem:s7+$0xFFFFFFD0] =	vst v18  }
0x56: {  	v22 =	vnsel vm0, $0x0, v29;
	v17 =	vperm.xlane v16, v8;
	v19 =	vnsel vm0, $0x0, v19;
	[tilespmem:s7+$0x0] =	vst v21  }
0x57: {  	v18 =	vperm.xlane v16, v4;
	v16 =	vperm.xlane v16, v14;
	v20 =	vnsel vm0, $0x0, v20;
	[tilespmem:s7+$0x10] =	vst v19  }
0x58: {  	v21 =	vnsel vm0, $0x0, v26;
	v19 =	vnsel vm0, $0x0, v23;
	v23 =	vnsel vm0, $0x0, v25;
	[tilespmem:s7+$0x20] =	vst v20  }
0x59: {  	v20 =	vnsel vm0, $0x0, v18;
	[tilespmem:s7+$0x30] =	vst v19;
	v18 =	vnsel vm0, $0x0, v17;
	v19 =	vnsel vm0, $0x0, v28  }
0x5a: {  	s8 =	simm.s32 $0x0;
	s9 =	sadd.s32 $0x20, s12;
	s6 =	sshll.u32 s4, $0xD;
	v17 =	vnsel vm0, $0x0, v30;
	v16 =	vnsel vm0, $0x0, v16;
	[tilespmem:s7+$0x40] =	vst v20;
	v20 =	vnsel vm0, $0x0, v27  }
.LBB2_3:
0x5b: {  	v24 =	vld [tilespmem:s9+$0x0];
	s8 =	sadd.s32 $0x2, s8;
	[tilespmem:s7+$0x70] =	vst v23  }
0x5c: {  	v23 =	vld [tilespmem:s9+$0xFFFFFFF0];
	p1 =	slt.u32 s8, $0x3E;
	[tilespmem:s7+$0x80] =	vst v18  }
0x5d: {  	[tilespmem:s7+$0x90] =	vst v21  }
0x5e: {  	[tilespmem:s7+$0xA0] =	vst v20  }
0x5f: {  	[tilespmem:s7+$0xB0] =	vst v19  }
0x60: {  	v18 =	vperm.xlane v24, v0;
	v19 =	vperm.xlane v24, v15;
	[tilespmem:s7+$0xC0] =	vst v22  }
0x61: {  	v20 =	vperm.xlane v23, v0;
	v21 =	vperm.xlane v23, v1;
	[tilespmem:s7+$0xD0] =	vst v17  }
0x62: {  	v17 =	vperm.xlane v23, v2;
	v22 =	vperm.xlane v23, v3;
	v19 =	vnsel vm0, $0x0, v19;
	[tilespmem:s7+$0xE0] =	vst v16;
	s7 =	sadd.s32 $0x200, s7  }
0x63: {  	v25 =	vperm.xlane v23, v5;
	v16 =	vnsel vm0, $0x0, v20;
	v20 =	vperm.xlane v23, v4;
	[tilespmem:s7+$0xF0] =	vst v19  }
0x64: {  	v19 =	vperm.xlane v23, v6;
	[tilespmem:s7+$0xFFFFFF00] =	vst v16;
	v16 =	vnsel vm0, $0x0, v21;
	v21 =	vperm.xlane v23, v7  }
0x65: {  	v26 =	vperm.xlane v23, v9;
	[tilespmem:s7+$0xFFFFFF10] =	vst v16;
	v16 =	vnsel vm0, $0x0, v17;
	v17 =	vperm.xlane v23, v8  }
0x66: {  	v27 =	vperm.xlane v23, v11;
	[tilespmem:s7+$0xFFFFFF20] =	vst v16;
	v16 =	vnsel vm0, $0x0, v22;
	v22 =	vperm.xlane v23, v10  }
0x67: {  	v28 =	vperm.xlane v23, v13;
	[tilespmem:s7+$0xFFFFFF30] =	vst v16;
	v16 =	vnsel vm0, $0x0, v20;
	v20 =	vperm.xlane v23, v12  }
0x68: {  	[tilespmem:s7+$0xFFFFFF40] =	vst v16;
	v16 =	vnsel vm0, $0x0, v25;
	v25 =	vperm.xlane v23, v14;
	v23 =	vperm.xlane v23, v15  }
0x69: {  	v29 =	vperm.xlane v24, v2;
	[tilespmem:s7+$0xFFFFFF50] =	vst v16;
	v16 =	vnsel vm0, $0x0, v19;
	v19 =	vperm.xlane v24, v1  }
0x6a: {  	v30 =	vperm.xlane v24, v4;
	[tilespmem:s7+$0xFFFFFF60] =	vst v16;
	v16 =	vnsel vm0, $0x0, v21;
	v21 =	vperm.xlane v24, v3  }
0x6b: {  	v31 =	vperm.xlane v24, v6;
	[tilespmem:s7+$0xFFFFFF70] =	vst v16;
	v16 =	vnsel vm0, $0x0, v17;
	v17 =	vperm.xlane v24, v5  }
0x6c: {  	v32 =	vperm.xlane v24, v8;
	[tilespmem:s7+$0xFFFFFF80] =	vst v16;
	v16 =	vnsel vm0, $0x0, v26;
	v26 =	vperm.xlane v24, v7  }
0x6d: {  	v33 =	vperm.xlane v24, v10;
	[tilespmem:s7+$0xFFFFFF90] =	vst v16;
	v16 =	vnsel vm0, $0x0, v22;
	v22 =	vperm.xlane v24, v9  }
0x6e: {  	v34 =	vperm.xlane v24, v12;
	[tilespmem:s7+$0xFFFFFFA0] =	vst v16;
	v16 =	vnsel vm0, $0x0, v27;
	v27 =	vperm.xlane v24, v11  }
0x6f: {  	v35 =	vperm.xlane v24, v13;
	v24 =	vperm.xlane v24, v14;
	[tilespmem:s7+$0xFFFFFFB0] =	vst v16;
	v16 =	vnsel vm0, $0x0, v20  }
0x70: {  	v23 =	vnsel vm0, $0x0, v23;
	v20 =	vnsel vm0, $0x0, v25;
	[tilespmem:s7+$0xFFFFFFC0] =	vst v16;
	v16 =	vnsel vm0, $0x0, v28  }
0x71: {  	v25 =	vnsel vm0, $0x0, v19;
	v28 =	vnsel vm0, $0x0, v29;
	[tilespmem:s7+$0xFFFFFFD0] =	vst v16;
	v16 =	vnsel vm0, $0x0, v18  }
0x72: {  	v30 =	vnsel vm0, $0x0, v30;
	v36 =	vnsel vm0, $0x0, v17;
	v29 =	vnsel vm0, $0x0, v21;
	[tilespmem:s7+$0xFFFFFFE0] =	vst v20  }
0x73: {  	v31 =	vnsel vm0, $0x0, v31;
	v18 =	vnsel vm0, $0x0, v32;
	[tilespmem:s7+$0xFFFFFFF0] =	vst v23;
	v23 =	vnsel vm0, $0x0, v26  }
0x74: {  	v21 =	vnsel vm0, $0x0, v22;
	v19 =	vnsel vm0, $0x0, v27;
	v20 =	vnsel vm0, $0x0, v33;
	[tilespmem:s7+$0x0] =	vst v16  }
0x75: {  	v17 =	vnsel vm0, $0x0, v35;
	v22 =	vnsel vm0, $0x0, v34;
	v16 =	vnsel vm0, $0x0, v24;
	[tilespmem:s7+$0x10] =	vst v25  }
.Ltmp0:
0x76: {  	[tilespmem:s7+$0x20] =	vst v28;
	(pc) =	sbr.rel @p1 .LBB2_3-.Ltmp0, $4  }
0x77: {  	[tilespmem:s7+$0x30] =	vst v29  }
0x78: {  	[tilespmem:s7+$0x40] =	vst v30  }
0x79: {  	[tilespmem:s7+$0x50] =	vst v36  }
0x7a: {  	s9 =	sadd.s32 $0x20, s9;
	[tilespmem:s7+$0x60] =	vst v31  }
0x7b: {  	[tilespmem:s7+$0x70] =	vst v23  }
0x7c: {  	[tilespmem:s7+$0x80] =	vst v18  }
0x7d: {  	[tilespmem:s7+$0x90] =	vst v21  }
0x7e: {  	[tilespmem:s7+$0xA0] =	vst v20  }
0x7f: {  	[tilespmem:s7+$0xB0] =	vst v19  }
0x80: {  	[tilespmem:s7+$0xC0] =	vst v22  }
0x81: {  	[tilespmem:s7+$0xD0] =	vst v17;
	s8 =	sshra.s32 s6, $0x2  }
0x82: {  	[tilespmem:s7+$0xE0] =	vst v16;
	s9 =	sadd.s32 $0x2800, s8  }
0x83: {  	[spmem:s2] =	stream.indirect.scatter.add.f32 [tilespmem:s14], [sflag:$0x1], $0x10, s9, s13, $0xb8;
	[tilespmem:$0xF800] =	vst v63  }
0x84: {  	s9 =	sadd.s32 $0x2880, s8  }
0x85: {  	[spmem:s2] =	stream.indirect.scatter.add.f32 [tilespmem:s15], [sflag:$0x1], $0x10, s9, s13, $0xb8;
	[tilespmem:$0xF800] =	vst v63  }
0x86: {  	s9 =	sadd.s32 $0x2900, s8  }
0x87: {  	[spmem:s2] =	stream.indirect.scatter.add.f32 [tilespmem:s16], [sflag:$0x1], $0x10, s9, s13, $0xb8;
	[tilespmem:$0xF800] =	vst v63  }
0x88: {  	s9 =	sadd.s32 $0x2980, s8  }
0x89: {  	[spmem:s2] =	stream.indirect.scatter.add.f32 [tilespmem:s17], [sflag:$0x1], $0x10, s9, s13, $0xb8;
	[tilespmem:$0xF800] =	vst v63  }
0x8a: {  	s9 =	sadd.s32 $0x2A00, s8  }
0x8b: {  	[spmem:s2] =	stream.indirect.scatter.add.f32 [tilespmem:s18], [sflag:$0x1], $0x10, s9, s13, $0xb8;
	[tilespmem:$0xF800] =	vst v63  }
0x8c: {  	s9 =	sadd.s32 $0x2A80, s8  }
0x8d: {  	[spmem:s2] =	stream.indirect.scatter.add.f32 [tilespmem:s19], [sflag:$0x1], $0x10, s9, s13, $0xb8;
	[tilespmem:$0xF800] =	vst v63  }
0x8e: {  	s9 =	sadd.s32 $0x2B00, s8  }
0x8f: {  	[spmem:s2] =	stream.indirect.scatter.add.f32 [tilespmem:s20], [sflag:$0x1], $0x10, s9, s13, $0xb8;
	[tilespmem:$0xF800] =	vst v63  }
0x90: {  	s7 =	simm.s32 @!p0 $0x2;
	s9 =	sadd.s32 $0x2B80, s8  }
0x91: {  	[spmem:s2] =	stream.indirect.scatter.add.f32 [tilespmem:s21], [sflag:$0x1], $0x10, s9, s13, $0xb8;
	[tilespmem:$0xF800] =	vst v63  }
0x92: {  	_ =	swait.ge @!p0 [sflag:s7], $0x800  }
0x93: {  	[sflag:s7] =	ssyncset.done @!p0 $0x0  }
0x94: {  	[sflag:s7] =	ssyncadd.s32 @!p0 $0xFFFFF800  }
0x95: {  	_ =	swait.ge @!p0 [sflag:s7], $0x800  }
0x96: {  	[sflag:s7] =	ssyncset.done @!p0 $0x0  }
0x97: {  	[sflag:s7] =	ssyncadd.s32 @!p0 $0xFFFFF800  }
0x98: {  	_ =	swait.ge @!p0 [sflag:s7], $0x800  }
0x99: {  	[sflag:s7] =	ssyncset.done @!p0 $0x0  }
0x9a: {  	[sflag:s7] =	ssyncadd.s32 @!p0 $0xFFFFF800  }
0x9b: {  	_ =	swait.ge @!p0 [sflag:s7], $0x800  }
0x9c: {  	[sflag:s7] =	ssyncset.done @!p0 $0x0  }
0x9d: {  	[sflag:s7] =	ssyncadd.s32 @!p0 $0xFFFFF800  }
0x9e: {  	_ =	swait.ge @!p0 [sflag:s7], $0x800  }
0x9f: {  	[sflag:s7] =	ssyncset.done @!p0 $0x0  }
0xa0: {  	[sflag:s7] =	ssyncadd.s32 @!p0 $0xFFFFF800  }
0xa1: {  	_ =	swait.ge @!p0 [sflag:s7], $0x800  }
0xa2: {  	[sflag:s7] =	ssyncset.done @!p0 $0x0  }
0xa3: {  	[sflag:s7] =	ssyncadd.s32 @!p0 $0xFFFFF800  }
0xa4: {  	_ =	swait.ge @!p0 [sflag:s7], $0x800  }
0xa5: {  	[sflag:s7] =	ssyncset.done @!p0 $0x0  }
0xa6: {  	[sflag:s7] =	ssyncadd.s32 @!p0 $0xFFFFF800  }
0xa7: {  	_ =	swait.ge @!p0 [sflag:s7], $0x800  }
0xa8: {  	[sflag:s7] =	ssyncset.done @!p0 $0x0  }
0xa9: {  	[sflag:s7] =	ssyncadd.s32 @!p0 $0xFFFFF800  }
0xaa: {  	v16 =	vld [tilespmem:s3+$0x0]  }
0xab: {  	v17 =	vld [tilespmem:s3+$0xFFFFFFF0];
	_ =	sdelay $0x3  }
0xac: {  	v18 =	vperm.xlane v16, v15  }
0xad: {  	v19 =	vperm.xlane v17, v0  }
0xae: {  	s7 =	simm.s32 $0x91F0;
	v22 =	vperm.xlane v17, v14;
	v18 =	vnsel vm0, $0x0, v18  }
0xaf: {  	v24 =	vperm.xlane v16, v5;
	v19 =	vnsel vm0, $0x0, v19;
	[tilespmem:s7+$0x0] =	vst v18  }
0xb0: {  	v20 =	vperm.xlane v17, v1;
	v22 =	vnsel vm0, $0x0, v22;
	[tilespmem:s7+$0xFFFFFE10] =	vst v19  }
0xb1: {  	v21 =	vperm.xlane v17, v2;
	v24 =	vnsel vm0, $0x0, v24;
	[tilespmem:s7+$0xFFFFFEF0] =	vst v22  }
0xb2: {  	v18 =	vperm.xlane v17, v3;
	v19 =	vnsel vm0, $0x0, v20;
	[tilespmem:s7+$0xFFFFFF60] =	vst v24  }
0xb3: {  	v22 =	vperm.xlane v16, v6;
	[tilespmem:s7+$0xFFFFFE20] =	vst v19;
	v19 =	vnsel vm0, $0x0, v21  }
0xb4: {  	v20 =	vperm.xlane v17, v4;
	[tilespmem:s7+$0xFFFFFE30] =	vst v19;
	v18 =	vnsel vm0, $0x0, v18  }
0xb5: {  	v21 =	vperm.xlane v17, v5;
	v31 =	vnsel vm0, $0x0, v22;
	[tilespmem:s7+$0xFFFFFE40] =	vst v18  }
0xb6: {  	v19 =	vperm.xlane v17, v6;
	v18 =	vnsel vm0, $0x0, v20;
	[tilespmem:s7+$0xFFFFFF70] =	vst v31  }
0xb7: {  	v20 =	vperm.xlane v17, v7;
	[tilespmem:s7+$0xFFFFFE50] =	vst v18;
	v18 =	vnsel vm0, $0x0, v21  }
0xb8: {  	v21 =	vperm.xlane v17, v8;
	[tilespmem:s7+$0xFFFFFE60] =	vst v18;
	v18 =	vnsel vm0, $0x0, v19  }
0xb9: {  	v19 =	vperm.xlane v17, v9;
	[tilespmem:s7+$0xFFFFFE70] =	vst v18;
	v18 =	vnsel vm0, $0x0, v20  }
0xba: {  	v20 =	vperm.xlane v17, v10;
	[tilespmem:s7+$0xFFFFFE80] =	vst v18;
	v18 =	vnsel vm0, $0x0, v21  }
0xbb: {  	v23 =	vperm.xlane v16, v3;
	v21 =	vperm.xlane v17, v11;
	[tilespmem:s7+$0xFFFFFE90] =	vst v18;
	v18 =	vnsel vm0, $0x0, v19  }
0xbc: {  	v25 =	vperm.xlane v16, v7;
	v19 =	vperm.xlane v17, v12;
	[tilespmem:s7+$0xFFFFFEA0] =	vst v18;
	v18 =	vnsel vm0, $0x0, v20  }
0xbd: {  	v20 =	vperm.xlane v17, v13;
	v17 =	vperm.xlane v17, v15;
	[tilespmem:s7+$0xFFFFFEB0] =	vst v18;
	v18 =	vnsel vm0, $0x0, v21  }
0xbe: {  	v26 =	vperm.xlane v16, v9;
	v27 =	vperm.xlane v16, v10;
	[tilespmem:s7+$0xFFFFFEC0] =	vst v18;
	v18 =	vnsel vm0, $0x0, v19  }
0xbf: {  	v28 =	vperm.xlane v16, v11;
	v21 =	vperm.xlane v16, v0;
	v17 =	vnsel vm0, $0x0, v17;
	[tilespmem:s7+$0xFFFFFED0] =	vst v18  }
0xc0: {  	v29 =	vperm.xlane v16, v12;
	v19 =	vperm.xlane v16, v1;
	v18 =	vnsel vm0, $0x0, v20;
	[tilespmem:s7+$0xFFFFFF00] =	vst v17  }
0xc1: {  	v30 =	vperm.xlane v16, v13;
	v20 =	vperm.xlane v16, v2;
	v21 =	vnsel vm0, $0x0, v21;
	[tilespmem:s7+$0xFFFFFEE0] =	vst v18  }
0xc2: {  	v22 =	vnsel vm0, $0x0, v29;
	v17 =	vperm.xlane v16, v8;
	v19 =	vnsel vm0, $0x0, v19;
	[tilespmem:s7+$0xFFFFFF10] =	vst v21  }
0xc3: {  	v18 =	vperm.xlane v16, v4;
	v16 =	vperm.xlane v16, v14;
	v20 =	vnsel vm0, $0x0, v20;
	[tilespmem:s7+$0xFFFFFF20] =	vst v19  }
0xc4: {  	v21 =	vnsel vm0, $0x0, v26;
	v19 =	vnsel vm0, $0x0, v23;
	v23 =	vnsel vm0, $0x0, v25;
	[tilespmem:s7+$0xFFFFFF30] =	vst v20  }
0xc5: {  	v20 =	vnsel vm0, $0x0, v18;
	[tilespmem:s7+$0xFFFFFF40] =	vst v19;
	v18 =	vnsel vm0, $0x0, v17;
	v19 =	vnsel vm0, $0x0, v28  }
0xc6: {  	s6 =	sor.u32 $0x1000, s6;
	s8 =	simm.s32 $0x0;
	s9 =	sadd.s32 $0x20, s3;
	v17 =	vnsel vm0, $0x0, v30;
	v16 =	vnsel vm0, $0x0, v16;
	[tilespmem:s7+$0xFFFFFF50] =	vst v20;
	v20 =	vnsel vm0, $0x0, v27  }
.LBB2_5:
0xc7: {  	v24 =	vld [tilespmem:s9+$0x0];
	s8 =	sadd.s32 $0x2, s8;
	[tilespmem:s7+$0xFFFFFF80] =	vst v23  }
0xc8: {  	v23 =	vld [tilespmem:s9+$0xFFFFFFF0];
	p0 =	slt.u32 s8, $0x3E;
	[tilespmem:s7+$0xFFFFFF90] =	vst v18  }
0xc9: {  	[tilespmem:s7+$0xFFFFFFA0] =	vst v21  }
0xca: {  	[tilespmem:s7+$0xFFFFFFB0] =	vst v20  }
0xcb: {  	[tilespmem:s7+$0xFFFFFFC0] =	vst v19  }
0xcc: {  	v18 =	vperm.xlane v24, v0;
	v19 =	vperm.xlane v24, v15;
	[tilespmem:s7+$0xFFFFFFD0] =	vst v22  }
0xcd: {  	v20 =	vperm.xlane v23, v0;
	v21 =	vperm.xlane v23, v1;
	[tilespmem:s7+$0xFFFFFFE0] =	vst v17  }
0xce: {  	v17 =	vperm.xlane v23, v2;
	v22 =	vperm.xlane v23, v3;
	v19 =	vnsel vm0, $0x0, v19;
	[tilespmem:s7+$0xFFFFFFF0] =	vst v16;
	s7 =	sadd.s32 $0x200, s7  }
0xcf: {  	v25 =	vperm.xlane v23, v5;
	v16 =	vnsel vm0, $0x0, v20;
	v20 =	vperm.xlane v23, v4;
	[tilespmem:s7+$0x0] =	vst v19  }
0xd0: {  	v19 =	vperm.xlane v23, v6;
	[tilespmem:s7+$0xFFFFFE10] =	vst v16;
	v16 =	vnsel vm0, $0x0, v21;
	v21 =	vperm.xlane v23, v7  }
0xd1: {  	v26 =	vperm.xlane v23, v9;
	[tilespmem:s7+$0xFFFFFE20] =	vst v16;
	v16 =	vnsel vm0, $0x0, v17;
	v17 =	vperm.xlane v23, v8  }
0xd2: {  	v27 =	vperm.xlane v23, v11;
	[tilespmem:s7+$0xFFFFFE30] =	vst v16;
	v16 =	vnsel vm0, $0x0, v22;
	v22 =	vperm.xlane v23, v10  }
0xd3: {  	v28 =	vperm.xlane v23, v13;
	[tilespmem:s7+$0xFFFFFE40] =	vst v16;
	v16 =	vnsel vm0, $0x0, v20;
	v20 =	vperm.xlane v23, v12  }
0xd4: {  	[tilespmem:s7+$0xFFFFFE50] =	vst v16;
	v16 =	vnsel vm0, $0x0, v25;
	v25 =	vperm.xlane v23, v14;
	v23 =	vperm.xlane v23, v15  }
0xd5: {  	v29 =	vperm.xlane v24, v2;
	[tilespmem:s7+$0xFFFFFE60] =	vst v16;
	v16 =	vnsel vm0, $0x0, v19;
	v19 =	vperm.xlane v24, v1  }
0xd6: {  	v30 =	vperm.xlane v24, v4;
	[tilespmem:s7+$0xFFFFFE70] =	vst v16;
	v16 =	vnsel vm0, $0x0, v21;
	v21 =	vperm.xlane v24, v3  }
0xd7: {  	v31 =	vperm.xlane v24, v6;
	[tilespmem:s7+$0xFFFFFE80] =	vst v16;
	v16 =	vnsel vm0, $0x0, v17;
	v17 =	vperm.xlane v24, v5  }
0xd8: {  	v32 =	vperm.xlane v24, v8;
	[tilespmem:s7+$0xFFFFFE90] =	vst v16;
	v16 =	vnsel vm0, $0x0, v26;
	v26 =	vperm.xlane v24, v7  }
0xd9: {  	v33 =	vperm.xlane v24, v10;
	[tilespmem:s7+$0xFFFFFEA0] =	vst v16;
	v16 =	vnsel vm0, $0x0, v22;
	v22 =	vperm.xlane v24, v9  }
0xda: {  	v34 =	vperm.xlane v24, v12;
	[tilespmem:s7+$0xFFFFFEB0] =	vst v16;
	v16 =	vnsel vm0, $0x0, v27;
	v27 =	vperm.xlane v24, v11  }
0xdb: {  	v35 =	vperm.xlane v24, v13;
	v24 =	vperm.xlane v24, v14;
	[tilespmem:s7+$0xFFFFFEC0] =	vst v16;
	v16 =	vnsel vm0, $0x0, v20  }
0xdc: {  	v23 =	vnsel vm0, $0x0, v23;
	v20 =	vnsel vm0, $0x0, v25;
	[tilespmem:s7+$0xFFFFFED0] =	vst v16;
	v16 =	vnsel vm0, $0x0, v28  }
0xdd: {  	v25 =	vnsel vm0, $0x0, v19;
	v28 =	vnsel vm0, $0x0, v29;
	[tilespmem:s7+$0xFFFFFEE0] =	vst v16;
	v16 =	vnsel vm0, $0x0, v18  }
0xde: {  	v30 =	vnsel vm0, $0x0, v30;
	v36 =	vnsel vm0, $0x0, v17;
	v29 =	vnsel vm0, $0x0, v21;
	[tilespmem:s7+$0xFFFFFEF0] =	vst v20  }
0xdf: {  	v31 =	vnsel vm0, $0x0, v31;
	v18 =	vnsel vm0, $0x0, v32;
	[tilespmem:s7+$0xFFFFFF00] =	vst v23;
	v23 =	vnsel vm0, $0x0, v26  }
0xe0: {  	v21 =	vnsel vm0, $0x0, v22;
	v19 =	vnsel vm0, $0x0, v27;
	v20 =	vnsel vm0, $0x0, v33;
	[tilespmem:s7+$0xFFFFFF10] =	vst v16  }
0xe1: {  	v17 =	vnsel vm0, $0x0, v35;
	v22 =	vnsel vm0, $0x0, v34;
	v16 =	vnsel vm0, $0x0, v24;
	[tilespmem:s7+$0xFFFFFF20] =	vst v25  }
.Ltmp1:
0xe2: {  	[tilespmem:s7+$0xFFFFFF30] =	vst v28;
	(pc) =	sbr.rel @p0 .LBB2_5-.Ltmp1, $4  }
0xe3: {  	[tilespmem:s7+$0xFFFFFF40] =	vst v29  }
0xe4: {  	[tilespmem:s7+$0xFFFFFF50] =	vst v30  }
0xe5: {  	[tilespmem:s7+$0xFFFFFF60] =	vst v36  }
0xe6: {  	s9 =	sadd.s32 $0x20, s9;
	[tilespmem:s7+$0xFFFFFF70] =	vst v31  }
0xe7: {  	[tilespmem:s7+$0xFFFFFF80] =	vst v23  }
0xe8: {  	[tilespmem:s7+$0xFFFFFF90] =	vst v18  }
0xe9: {  	[tilespmem:s7+$0xFFFFFFA0] =	vst v21  }
0xea: {  	[tilespmem:s7+$0xFFFFFFB0] =	vst v20  }
0xeb: {  	[tilespmem:s7+$0xFFFFFFC0] =	vst v19  }
0xec: {  	[tilespmem:s7+$0xFFFFFFD0] =	vst v22  }
0xed: {  	[tilespmem:s7+$0xFFFFFFE0] =	vst v17;
	s6 =	sshra.s32 s6, $0x2  }
0xee: {  	[tilespmem:s7+$0xFFFFFFF0] =	vst v16;
	s9 =	sadd.s32 $0x2800, s6  }
0xef: {  	[spmem:s2] =	stream.indirect.scatter.add.f32 [tilespmem:s22], [sflag:$0x2], $0x10, s9, s13, $0xb8;
	[tilespmem:$0xF800] =	vst v63  }
0xf0: {  	s8 =	sadd.s32 $0x2880, s6  }
0xf1: {  	[spmem:s2] =	stream.indirect.scatter.add.f32 [tilespmem:s23], [sflag:$0x2], $0x10, s8, s13, $0xb8;
	[tilespmem:$0xF800] =	vst v63  }
0xf2: {  	s9 =	sadd.s32 $0x2900, s6  }
0xf3: {  	[spmem:s2] =	stream.indirect.scatter.add.f32 [tilespmem:s24], [sflag:$0x2], $0x10, s9, s13, $0xb8;
	[tilespmem:$0xF800] =	vst v63  }
0xf4: {  	s8 =	sadd.s32 $0x2980, s6  }
0xf5: {  	[spmem:s2] =	stream.indirect.scatter.add.f32 [tilespmem:s25], [sflag:$0x2], $0x10, s8, s13, $0xb8;
	[tilespmem:$0xF800] =	vst v63  }
0xf6: {  	s4 =	sadd.s32 $0x1, s4;
	s9 =	sadd.s32 $0x2A00, s6  }
0xf7: {  	[spmem:s2] =	stream.indirect.scatter.add.f32 [tilespmem:s26], [sflag:$0x2], $0x10, s9, s13, $0xb8;
	[tilespmem:$0xF800] =	vst v63  }
0xf8: {  	p0 =	sne.s32 s4, $0x5;
	s8 =	sadd.s32 $0x2A80, s6  }
0xf9: {  	[spmem:s2] =	stream.indirect.scatter.add.f32 [tilespmem:s28], [sflag:$0x2], $0x10, s8, s13, $0xb8;
	[tilespmem:$0xF800] =	vst v63  }
.Ltmp2:
0xfa: {  	_ = 	snop;
	(pc) =	sbr.rel @p0 .LBB2_2-.Ltmp2, $4  }
0xfb: {  	s9 =	sadd.s32 $0x2B00, s6  }
0xfc: {  	[spmem:s2] =	stream.indirect.scatter.add.f32 [tilespmem:s29], [sflag:$0x2], $0x10, s9, s13, $0xb8;
	[tilespmem:$0xF800] =	vst v63  }
0xfd: {  	s12 =	sadd.s32 $0x800, s12;
	s3 =	sadd.s32 $0x800, s3;
	s6 =	sadd.s32 $0x2B80, s6  }
0xfe: {  	[spmem:s2] =	stream.indirect.scatter.add.f32 [tilespmem:s30], [sflag:$0x2], $0x10, s6, s13, $0xb8;
	[tilespmem:$0xF800] =	vst v63  }
0xff: {  	_ =	swait.ge [sflag:s31], $0x800  }
0x100: {  	[sflag:s31] =	ssyncset.done $0x0  }
0x101: {  	[sflag:s31] =	ssyncadd.s32 $0xFFFFF800  }
0x102: {  	_ =	swait.ge [sflag:s31], $0x800  }
0x103: {  	[sflag:s31] =	ssyncset.done $0x0  }
0x104: {  	[sflag:s31] =	ssyncadd.s32 $0xFFFFF800  }
0x105: {  	_ =	swait.ge [sflag:s31], $0x800  }
0x106: {  	[sflag:s31] =	ssyncset.done $0x0  }
0x107: {  	[sflag:s31] =	ssyncadd.s32 $0xFFFFF800  }
0x108: {  	_ =	swait.ge [sflag:s31], $0x800  }
0x109: {  	[sflag:s31] =	ssyncset.done $0x0  }
0x10a: {  	[sflag:s31] =	ssyncadd.s32 $0xFFFFF800  }
0x10b: {  	_ =	swait.ge [sflag:s31], $0x800  }
0x10c: {  	[sflag:s31] =	ssyncset.done $0x0  }
0x10d: {  	[sflag:s31] =	ssyncadd.s32 $0xFFFFF800  }
0x10e: {  	_ =	swait.ge [sflag:s31], $0x800  }
0x10f: {  	[sflag:s31] =	ssyncset.done $0x0  }
0x110: {  	[sflag:s31] =	ssyncadd.s32 $0xFFFFF800  }
0x111: {  	_ =	swait.ge [sflag:s31], $0x800  }
0x112: {  	[sflag:s31] =	ssyncset.done $0x0  }
0x113: {  	[sflag:s31] =	ssyncadd.s32 $0xFFFFF800  }
0x114: {  	_ =	swait.ge [sflag:s31], $0x800  }
0x115: {  	[sflag:s31] =	ssyncset.done $0x0  }
0x116: {  	[sflag:s31] =	ssyncadd.s32 $0xFFFFF800  }
0x117: {  	_ =	swait.ge [sflag:s1], $0x800  }
0x118: {  	[sflag:s1] =	ssyncset.done $0x0  }
0x119: {  	[sflag:s1] =	ssyncadd.s32 $0xFFFFF800  }
0x11a: {  	_ =	swait.ge [sflag:s1], $0x800  }
0x11b: {  	[sflag:s1] =	ssyncset.done $0x0  }
0x11c: {  	[sflag:s1] =	ssyncadd.s32 $0xFFFFF800  }
0x11d: {  	_ =	swait.ge [sflag:s1], $0x800  }
0x11e: {  	[sflag:s1] =	ssyncset.done $0x0  }
0x11f: {  	[sflag:s1] =	ssyncadd.s32 $0xFFFFF800  }
0x120: {  	_ =	swait.ge [sflag:s1], $0x800  }
0x121: {  	[sflag:s1] =	ssyncset.done $0x0  }
0x122: {  	[sflag:s1] =	ssyncadd.s32 $0xFFFFF800  }
0x123: {  	_ =	swait.ge [sflag:s1], $0x800  }
0x124: {  	[sflag:s1] =	ssyncset.done $0x0  }
0x125: {  	[sflag:s1] =	ssyncadd.s32 $0xFFFFF800  }
0x126: {  	_ =	swait.ge [sflag:s1], $0x800  }
0x127: {  	[sflag:s1] =	ssyncset.done $0x0  }
0x128: {  	[sflag:s1] =	ssyncadd.s32 $0xFFFFF800  }
0x129: {  	_ =	swait.ge [sflag:s1], $0x800  }
0x12a: {  	[sflag:s1] =	ssyncset.done $0x0  }
0x12b: {  	[sflag:s1] =	ssyncadd.s32 $0xFFFFF800  }
0x12c: {  	_ =	swait.ge [sflag:s1], $0x800  }
0x12d: {  	[sflag:s1] =	ssyncset.done $0x0  }
0x12e: {  	[sflag:s1] =	ssyncadd.s32 $0xFFFFF800  }
0x12f: {  	[bflag:$0x0] =	sbarrier.arrive $0xFFFF  }
0x130: {  	s3 =	rddreg [dreg:$0x8]  }
0x131: {  	[hbm:s3], [sflag:s5] =	dma.local [spmem:s10], $0x500  }
0x132: {  	_ =	swait.ge [sflag:s11], $0x500  }
0x133: {  	s0 =	sadd.s32 $0x1, s0;
	s12 =	rddreg [dreg:$0x9]  }
0x134: {  	p0 =	sne.s32 s0, s12  }
.Ltmp3:
0x135: {  	_ = 	snop;
	(pc) =	sbr.rel @p0 .LBB2_1-.Ltmp3, $3  }
0x136: {  	_ =	sdelay $0x1  }
0x137: {  	[sflag:s11] =	ssyncset.done $0x0  }
0x138: {  	[sflag:s11] =	ssyncadd.s32 $0xFFFFFB00  }
0x139: {  	_ =	sfence.sel $0x180000  }
0x13a: {  	[bflag:$0x0] =	sbarrier.arrive $0xFFFF  }
0x13b: {  	_ =	strace $0x90000047  }
0x13c: {  	s0 =	stileid.u32;
	[bflag:$0x2] =	sbarrier.arrive $0xFFFF  }
0x13d: {  	p0 =	sne.s32 s0, $0x0;
	s0 =	rddreg [dreg:$0x4]  }
0x13e: {  	s0 =	sadd.s32 @!p0 $0x100000, s0  }
0x13f: {  	[sflag:s0] =	ssyncadd.tile.s32 @!p0 $0x1;
	_ =	shalt  }
.Lfunc_end2:
_tile_overlayer_lowered:
.L_overlay_start_2:
0x140: {  	(tag) =	ssettag $0x2  }
0x141: {  	s0 =	rddreg [dreg:$0x0];
	s2 =	stileid.u32  }
0x142: {  	s1 =	rddreg [dreg:$0x1];
	p0 =	sne.s32 s2, $0x0  }
0x143: {  	s3 =	rddreg [dreg:$0x2];
	[bflag:$0x3] =	sbarrier.arrive $0xFFFF;
	s2 =	simm.s32 @!p0 $0x1C03  }
0x144: {  	[timem:s3], [sflag:s2] =	dma.local @!p0 [hbm:s0], s1  }
0x145: {  	s0 =	simm.s32 @!p0 $0x3  }
0x146: {  	_ =	swait.ge @!p0 [sflag:s0], s1  }
0x147: {  	s1 =	ssub.s32 @!p0 $0x0, s1;
	[sflag:s0] =	ssyncset.done @!p0 $0x0  }
0x148: {  	[sflag:s0] =	ssyncadd.s32 @!p0 s1  }
0x149: {  	[bflag:$0x3] =	sbarrier.arrive $0xFFFF  }
0x14a: {  	_ =	shalt  }

</sc_bundles>
